<compile_context>
chip_gen: v7x
topology: tpu7x:2x2x1
jax: 0.10.2.dev20260603
libtpu: 0.0.44.dev20260713+nightly
codegen_flags: <defaults>
</compile_context>

<pallas_src>
import functools

import jax
import jax.numpy as jnp
from jax import lax
from jax.experimental import pallas as pl
from jax.experimental.pallas import tpu as pltpu
from jax.experimental.pallas import tpu_sc as plsc

_NC = 2
_NS = 16
_NW = _NC * _NS
_NBUF = 4
_KA = 88


@functools.lru_cache(maxsize=None)
def _make_kernel(B, L, D):
    KA = _KA
    KB = L - KA
    rpw = B // _NW
    cpw = 2 * rpw
    assert B % _NW == 0 and cpw % _NBUF == 0 and D % 16 == 0
    assert KA % 8 == 0 and KB % 8 == 0 and KA <= 128 and KB <= 128

    mesh = plsc.VectorSubcoreMesh(core_axis_name="c", subcore_axis_name="s")

    @functools.partial(
        pl.kernel,
        mesh=mesh,
        out_type=jax.ShapeDtypeStruct((B, L, D), jnp.float32),
        scratch_types=[
            pltpu.VMEM((rpw, KA), jnp.int32),
            pltpu.VMEM((rpw, KB), jnp.int32),
            pltpu.VMEM((2, KA, D), jnp.float32),
            pltpu.VMEM((2, KB, D), jnp.float32),
            pltpu.VMEM((L, D), jnp.float32),
            [pltpu.SemaphoreType.DMA] * _NBUF,
            [pltpu.SemaphoreType.DMA] * _NBUF,
        ],
    )
    def k(ia_hbm, ib_hbm, table_hbm, pos_hbm, out_hbm, idx_a, idx_b,
          rows_a, rows_b, pos_v, gsems, osems):
        wid = lax.axis_index("s") * _NC + lax.axis_index("c")
        row0 = wid * rpw

        pltpu.sync_copy(pos_hbm, pos_v)
        pltpu.sync_copy(ia_hbm.at[pl.ds(row0, rpw)], idx_a)
        pltpu.sync_copy(ib_hbm.at[pl.ds(row0, rpw)], idx_b)

        def gather(q, b):
            if b % 2 == 0:
                return pltpu.make_async_copy(
                    table_hbm.at[idx_a.at[q // 2]], rows_a.at[b // 2],
                    gsems[b])
            return pltpu.make_async_copy(
                table_hbm.at[idx_b.at[q // 2]], rows_b.at[b // 2], gsems[b])

        def wback(q, b):
            if b % 2 == 0:
                return pltpu.make_async_copy(
                    rows_a.at[b // 2],
                    out_hbm.at[row0 + q // 2, pl.ds(0, KA)], osems[b])
            return pltpu.make_async_copy(
                rows_b.at[b // 2],
                out_hbm.at[row0 + q // 2, pl.ds(KA, KB)], osems[b])

        for b in range(_NBUF - 1):
            gather(b, b).start()

        def super_body(i, carry):
            g = i * _NBUF
            for b in range(_NBUF):
                q = g + b
                gather(q, b).wait()

                rows_v = rows_a if b % 2 == 0 else rows_b
                n_tok = KA if b % 2 == 0 else KB
                off = 0 if b % 2 == 0 else KA

                def tok_body(t, c2, rows_v=rows_v, b=b, off=off):
                    for d in range(D // 16):
                        sl = pl.ds(d * 16, 16)
                        plsc.addupdate(rows_v.at[b // 2, t, sl],
                                       pos_v[off + t, sl])
                    return c2

                lax.fori_loop(0, n_tok, tok_body, 0)

                pb = (b - 1) % _NBUF

                @pl.when(q >= 1)
                def _(q=q, pb=pb):
                    wback(q - 1, pb).wait()

                @pl.when(q + _NBUF - 1 < cpw)
                def _(q=q, pb=pb):
                    gather(q + _NBUF - 1, pb).start()

                wback(q, b).start()

            return carry

        lax.fori_loop(0, cpw // _NBUF, super_body, 0)
        wback(cpw - 1, _NBUF - 1).wait()

    return k


def kernel(inputs, token_table, pos_table):
    B, L = inputs.shape
    _, D = token_table.shape
    k = _make_kernel(B, L, D)
    idx = inputs.astype(jnp.int32)
    return k(idx[:, :_KA], idx[:, _KA:], token_table, pos_table)

# --- scband reference (transcript-rebuilt; emitter-appended) ---
"""Pipeline reference for scband-token-and-position-embedding-25666724561145 (READ-ONLY COPY).

The authoritative reference and input builder live on the scoring server;
editing this copy changes nothing except your own understanding.
"""

import jax, jax.numpy as jnp
import numpy as np

VOCAB = 100000
MAXLEN = 200
EMBED = 128
BATCH = 1024


def setup_inputs(seed: int = 0) -> dict:
    key = jax.random.key(seed)
    k1, k2, k3 = jax.random.split(key, 3)
    inputs = jax.random.randint(k1, (BATCH, MAXLEN), 0, VOCAB, dtype=jnp.int64 if jax.config.jax_enable_x64 else jnp.int32)
    token_table = jax.random.normal(k2, (VOCAB, EMBED), dtype=jnp.float32) * 0.05
    pos_table = jax.random.normal(k3, (MAXLEN, EMBED), dtype=jnp.float32) * 0.05
    return {"inputs": inputs, "token_table": token_table, "pos_table": pos_table}


def reference(inputs, token_table, pos_table):
    # token embeddings: gather rows of token_table
    token_embeddings = jnp.take(token_table, inputs, axis=0)  # [B, L, D]
    # position embeddings: gather rows 0..L-1 of pos_table
    L = inputs.shape[-1]
    positions = jnp.arange(L)
    position_embeddings = jnp.take(pos_table, positions, axis=0)  # [L, D]
    return token_embeddings + position_embeddings[None, :, :]

if __name__ == "__main__":
    import jax
    _d = setup_inputs()
    print(jax.jit(kernel)(*tuple(_d.values())))

</pallas_src>

<mosaic_0001>
#map = affine_map<(d0, d1) -> (0, 0)>
#map1 = affine_map<(d0, d1) -> (0, 0, 0)>
module attributes {stable_mosaic.version = 14 : i64} {
  func.func @k(%arg0: i32, %arg1: i32, %arg2: memref<1024x88xi32, #tpu.memory_space<hbm>>, %arg3: memref<1024x112xi32, #tpu.memory_space<hbm>>, %arg4: memref<100000x128xf32, #tpu.memory_space<hbm>>, %arg5: memref<200x128xf32, #tpu.memory_space<hbm>>, %arg6: memref<1024x200x128xf32, #tpu.memory_space<hbm>>, %arg7: memref<32x88xi32, #tpu.memory_space<vmem>>, %arg8: memref<32x112xi32, #tpu.memory_space<vmem>>, %arg9: memref<2x88x128xf32, #tpu.memory_space<vmem>>, %arg10: memref<2x112x128xf32, #tpu.memory_space<vmem>>, %arg11: memref<200x128xf32, #tpu.memory_space<vmem>>, %arg12: memref<!tpu.dma_semaphore, #tpu.memory_space<semaphore_mem>>, %arg13: memref<!tpu.dma_semaphore, #tpu.memory_space<semaphore_mem>>, %arg14: memref<!tpu.dma_semaphore, #tpu.memory_space<semaphore_mem>>, %arg15: memref<!tpu.dma_semaphore, #tpu.memory_space<semaphore_mem>>, %arg16: memref<!tpu.dma_semaphore, #tpu.memory_space<semaphore_mem>>, %arg17: memref<!tpu.dma_semaphore, #tpu.memory_space<semaphore_mem>>, %arg18: memref<!tpu.dma_semaphore, #tpu.memory_space<semaphore_mem>>, %arg19: memref<!tpu.dma_semaphore, #tpu.memory_space<semaphore_mem>>) attributes {dimension_semantics = [#tpu.dimension_semantics<core_parallel>, #tpu.dimension_semantics<subcore_parallel>], iteration_bounds = array<i64: 2, 16>, scalar_prefetch = 0 : i64, scratch_operands = 13 : i64, tpu.core_type = #tpu.core_type<sc_vector_subcore>, window_params = [{transform_indices = #map}, {transform_indices = #map}, {transform_indices = #map}, {transform_indices = #map}, {transform_indices = #map1}]} {
    %mul3A = arith.constant 2 : i32
    %mul3A_0 = arith.muli %arg1, %mul3A : i32
    %add3A = arith.addi %mul3A_0, %arg0 : i32
    %mul3A_1 = arith.constant 32 : i32
    %mul3A_2 = arith.muli %add3A, %mul3A_1 : i32
    "tpu.region"() ({
      %run_scoped3A = tpu.sem_alloc : memref<!tpu.dma_semaphore, #tpu.memory_space<semaphore_mem>>
      tpu.enqueue_dma source(%arg5 : memref<200x128xf32, #tpu.memory_space<hbm>>) target(%arg11 : memref<200x128xf32, #tpu.memory_space<vmem>>) target_semaphore(%run_scoped3A : memref<!tpu.dma_semaphore, #tpu.memory_space<semaphore_mem>>)
      tpu.wait_dma2 semaphore(%run_scoped3A : memref<!tpu.dma_semaphore, #tpu.memory_space<semaphore_mem>>) src(%arg5 : memref<200x128xf32, #tpu.memory_space<hbm>>) dst(%arg11 : memref<200x128xf32, #tpu.memory_space<vmem>>)
      tpu.yield
    }) : () -> ()
    "tpu.region"() ({
      %run_scoped3A = tpu.sem_alloc : memref<!tpu.dma_semaphore, #tpu.memory_space<semaphore_mem>>
      %dma_start3A_61 = arith.constant 0 : i32
      %dma_start3A_62 = tpu.memref_slice %arg2[%mul3A_2, %dma_start3A_61] : memref<1024x88xi32, #tpu.memory_space<hbm>> -> memref<32x88xi32, #tpu.memory_space<hbm>>
      %dma_start3A_63 = arith.constant 0 : i32
      %dma_start3A_64 = tpu.memref_slice %arg2[%mul3A_2, %dma_start3A_63] : memref<1024x88xi32, #tpu.memory_space<hbm>> -> memref<32x88xi32, #tpu.memory_space<hbm>>
      tpu.enqueue_dma source(%dma_start3A_64 : memref<32x88xi32, #tpu.memory_space<hbm>>) target(%arg7 : memref<32x88xi32, #tpu.memory_space<vmem>>) target_semaphore(%run_scoped3A : memref<!tpu.dma_semaphore, #tpu.memory_space<semaphore_mem>>)
      %dma_wait3A_65 = arith.constant 0 : i32
      %dma_wait3A_66 = tpu.memref_slice %arg2[%mul3A_2, %dma_wait3A_65] : memref<1024x88xi32, #tpu.memory_space<hbm>> -> memref<32x88xi32, #tpu.memory_space<hbm>>
      %dma_wait3A_67 = arith.constant 0 : i32
      %dma_wait3A_68 = tpu.memref_slice %arg2[%mul3A_2, %dma_wait3A_67] : memref<1024x88xi32, #tpu.memory_space<hbm>> -> memref<32x88xi32, #tpu.memory_space<hbm>>
      tpu.wait_dma2 semaphore(%run_scoped3A : memref<!tpu.dma_semaphore, #tpu.memory_space<semaphore_mem>>) src(%dma_wait3A_68 : memref<32x88xi32, #tpu.memory_space<hbm>>) dst(%arg7 : memref<32x88xi32, #tpu.memory_space<vmem>>)
      tpu.yield
    }) : () -> ()
    "tpu.region"() ({
      %run_scoped3A = tpu.sem_alloc : memref<!tpu.dma_semaphore, #tpu.memory_space<semaphore_mem>>
      %dma_start3A_61 = arith.constant 0 : i32
      %dma_start3A_62 = tpu.memref_slice %arg3[%mul3A_2, %dma_start3A_61] : memref<1024x112xi32, #tpu.memory_space<hbm>> -> memref<32x112xi32, #tpu.memory_space<hbm>>
      %dma_start3A_63 = arith.constant 0 : i32
      %dma_start3A_64 = tpu.memref_slice %arg3[%mul3A_2, %dma_start3A_63] : memref<1024x112xi32, #tpu.memory_space<hbm>> -> memref<32x112xi32, #tpu.memory_space<hbm>>
      tpu.enqueue_dma source(%dma_start3A_64 : memref<32x112xi32, #tpu.memory_space<hbm>>) target(%arg8 : memref<32x112xi32, #tpu.memory_space<vmem>>) target_semaphore(%run_scoped3A : memref<!tpu.dma_semaphore, #tpu.memory_space<semaphore_mem>>)
      %dma_wait3A_65 = arith.constant 0 : i32
      %dma_wait3A_66 = tpu.memref_slice %arg3[%mul3A_2, %dma_wait3A_65] : memref<1024x112xi32, #tpu.memory_space<hbm>> -> memref<32x112xi32, #tpu.memory_space<hbm>>
      %dma_wait3A_67 = arith.constant 0 : i32
      %dma_wait3A_68 = tpu.memref_slice %arg3[%mul3A_2, %dma_wait3A_67] : memref<1024x112xi32, #tpu.memory_space<hbm>> -> memref<32x112xi32, #tpu.memory_space<hbm>>
      tpu.wait_dma2 semaphore(%run_scoped3A : memref<!tpu.dma_semaphore, #tpu.memory_space<semaphore_mem>>) src(%dma_wait3A_68 : memref<32x112xi32, #tpu.memory_space<hbm>>) dst(%arg8 : memref<32x112xi32, #tpu.memory_space<vmem>>)
      tpu.yield
    }) : () -> ()
    %dma_start3A = arith.constant 0 : i32
    %dma_start3A_3 = arith.constant 0 : i32
    %dma_start3A_4 = arith.constant 0 : i32
    %dma_start3A_5 = arith.constant 0 : i32
    %dma_start3A_6 = tpu.memref_slice %arg9[%dma_start3A_3, %dma_start3A_4, %dma_start3A_5] : memref<2x88x128xf32, #tpu.memory_space<vmem>> -> memref<1x88x128xf32, #tpu.memory_space<vmem>>
    %dma_start3A_7 = tpu.memref_squeeze %dma_start3A_6 : memref<1x88x128xf32, #tpu.memory_space<vmem>> -> memref<88x128xf32, #tpu.memory_space<vmem>>
    %dma_start3A_8 = arith.constant 0 : i32
    %dma_start3A_9 = tpu.memref_slice %arg7[%dma_start3A, %dma_start3A_8] : memref<32x88xi32, #tpu.memory_space<vmem>> -> memref<1x88xi32, #tpu.memory_space<vmem>>
    %dma_start3A_10 = tpu.memref_squeeze %dma_start3A_9 : memref<1x88xi32, #tpu.memory_space<vmem>> -> memref<88xi32, #tpu.memory_space<vmem>>
    %dma_start3A_11 = arith.constant 0 : i32
    %dma_start3A_12 = arith.constant 0 : i32
    %dma_start3A_13 = tpu.memref_slice %arg4[%dma_start3A_11, %dma_start3A_12] : memref<100000x128xf32, #tpu.memory_space<hbm>> -> memref<100000x128xf32, #tpu.memory_space<hbm>>
    tpu.enqueue_indirect_dma source(%dma_start3A_13 : memref<100000x128xf32, #tpu.memory_space<hbm>>) target(%dma_start3A_7 : memref<88x128xf32, #tpu.memory_space<vmem>>) offsets(%dma_start3A_10 : memref<88xi32, #tpu.memory_space<vmem>>) semaphore(%arg12 : memref<!tpu.dma_semaphore, #tpu.memory_space<semaphore_mem>>)
    %dma_start3A_14 = arith.constant 0 : i32
    %dma_start3A_15 = arith.constant 0 : i32
    %dma_start3A_16 = arith.constant 0 : i32
    %dma_start3A_17 = arith.constant 0 : i32
    %dma_start3A_18 = tpu.memref_slice %arg10[%dma_start3A_15, %dma_start3A_16, %dma_start3A_17] : memref<2x112x128xf32, #tpu.memory_space<vmem>> -> memref<1x112x128xf32, #tpu.memory_space<vmem>>
    %dma_start3A_19 = tpu.memref_squeeze %dma_start3A_18 : memref<1x112x128xf32, #tpu.memory_space<vmem>> -> memref<112x128xf32, #tpu.memory_space<vmem>>
    %dma_start3A_20 = arith.constant 0 : i32
    %dma_start3A_21 = tpu.memref_slice %arg8[%dma_start3A_14, %dma_start3A_20] : memref<32x112xi32, #tpu.memory_space<vmem>> -> memref<1x112xi32, #tpu.memory_space<vmem>>
    %dma_start3A_22 = tpu.memref_squeeze %dma_start3A_21 : memref<1x112xi32, #tpu.memory_space<vmem>> -> memref<112xi32, #tpu.memory_space<vmem>>
    %dma_start3A_23 = arith.constant 0 : i32
    %dma_start3A_24 = arith.constant 0 : i32
    %dma_start3A_25 = tpu.memref_slice %arg4[%dma_start3A_23, %dma_start3A_24] : memref<100000x128xf32, #tpu.memory_space<hbm>> -> memref<100000x128xf32, #tpu.memory_space<hbm>>
    tpu.enqueue_indirect_dma source(%dma_start3A_25 : memref<100000x128xf32, #tpu.memory_space<hbm>>) target(%dma_start3A_19 : memref<112x128xf32, #tpu.memory_space<vmem>>) offsets(%dma_start3A_22 : memref<112xi32, #tpu.memory_space<vmem>>) semaphore(%arg13 : memref<!tpu.dma_semaphore, #tpu.memory_space<semaphore_mem>>)
    %dma_start3A_26 = arith.constant 1 : i32
    %dma_start3A_27 = arith.constant 1 : i32
    %dma_start3A_28 = arith.constant 0 : i32
    %dma_start3A_29 = arith.constant 0 : i32
    %dma_start3A_30 = tpu.memref_slice %arg9[%dma_start3A_27, %dma_start3A_28, %dma_start3A_29] : memref<2x88x128xf32, #tpu.memory_space<vmem>> -> memref<1x88x128xf32, #tpu.memory_space<vmem>>
    %dma_start3A_31 = tpu.memref_squeeze %dma_start3A_30 : memref<1x88x128xf32, #tpu.memory_space<vmem>> -> memref<88x128xf32, #tpu.memory_space<vmem>>
    %dma_start3A_32 = arith.constant 0 : i32
    %dma_start3A_33 = tpu.memref_slice %arg7[%dma_start3A_26, %dma_start3A_32] : memref<32x88xi32, #tpu.memory_space<vmem>> -> memref<1x88xi32, #tpu.memory_space<vmem>>
    %dma_start3A_34 = tpu.memref_squeeze %dma_start3A_33 : memref<1x88xi32, #tpu.memory_space<vmem>> -> memref<88xi32, #tpu.memory_space<vmem>>
    %dma_start3A_35 = arith.constant 0 : i32
    %dma_start3A_36 = arith.constant 0 : i32
    %dma_start3A_37 = tpu.memref_slice %arg4[%dma_start3A_35, %dma_start3A_36] : memref<100000x128xf32, #tpu.memory_space<hbm>> -> memref<100000x128xf32, #tpu.memory_space<hbm>>
    tpu.enqueue_indirect_dma source(%dma_start3A_37 : memref<100000x128xf32, #tpu.memory_space<hbm>>) target(%dma_start3A_31 : memref<88x128xf32, #tpu.memory_space<vmem>>) offsets(%dma_start3A_34 : memref<88xi32, #tpu.memory_space<vmem>>) semaphore(%arg14 : memref<!tpu.dma_semaphore, #tpu.memory_space<semaphore_mem>>)
    %scan3A = arith.constant 0 : i32
    %scan3A_38 = arith.constant 0 : i32
    %scan3A_39 = arith.constant 16 : i32
    %scan3A_40 = arith.addi %scan3A_38, %scan3A_39 : i32
    %scan3A_41 = arith.constant 1 : i32
    scf.for %scan3A_61 = %scan3A_38 to %scan3A_40 step %scan3A_41  : i32 {
      %mul3A_62 = arith.constant 4 : i32
      %mul3A_63 = arith.muli %scan3A_61, %mul3A_62 : i32
      %add3A_64 = arith.constant 0 : i32
      %add3A_65 = arith.addi %mul3A_63, %add3A_64 : i32
      %jit3A = arith.constant 2 : i32
      %div3A = arith.divsi %add3A_65, %jit3A : i32
      %sign3A = arith.constant 0 : i32
      %sign3A_66 = arith.cmpi sgt, %add3A_65, %sign3A : i32
      %sign3A_67 = arith.extui %sign3A_66 : i1 to i32
      %sign3A_68 = arith.constant 0 : i32
      %sign3A_69 = arith.cmpi slt, %add3A_65, %sign3A_68 : i32
      %sign3A_70 = arith.extui %sign3A_69 : i1 to i32
      %sign3A_71 = arith.subi %sign3A_67, %sign3A_70 : i32
      %sign3A_72 = arith.constant 0 : i32
      %sign3A_73 = arith.cmpi sgt, %jit3A, %sign3A_72 : i32
      %sign3A_74 = arith.extui %sign3A_73 : i1 to i32
      %sign3A_75 = arith.constant 0 : i32
      %sign3A_76 = arith.cmpi slt, %jit3A, %sign3A_75 : i32
      %sign3A_77 = arith.extui %sign3A_76 : i1 to i32
      %sign3A_78 = arith.subi %sign3A_74, %sign3A_77 : i32
      %ne3A = arith.cmpi ne, %sign3A_71, %sign3A_78 : i32
      %rem3A = arith.remsi %add3A_65, %jit3A : i32
      %ne3A_79 = arith.constant 0 : i32
      %ne3A_80 = arith.cmpi ne, %rem3A, %ne3A_79 : i32
      %and3A = arith.andi %ne3A, %ne3A_80 : i1
      %sub3A = arith.constant 1 : i32
      %sub3A_81 = arith.subi %div3A, %sub3A : i32
      %select_n3A = arith.select %and3A, %sub3A_81, %div3A : i32
      %dma_wait3A_82 = arith.constant 0 : i32
      %dma_wait3A_83 = arith.constant 0 : i32
      %dma_wait3A_84 = arith.constant 0 : i32
      %dma_wait3A_85 = tpu.memref_slice %arg9[%dma_wait3A_82, %dma_wait3A_83, %dma_wait3A_84] : memref<2x88x128xf32, #tpu.memory_space<vmem>> -> memref<1x88x128xf32, #tpu.memory_space<vmem>>
      %dma_wait3A_86 = tpu.memref_squeeze %dma_wait3A_85 : memref<1x88x128xf32, #tpu.memory_space<vmem>> -> memref<88x128xf32, #tpu.memory_space<vmem>>
      %dma_wait3A_87 = arith.constant 0 : i32
      %dma_wait3A_88 = tpu.memref_slice %arg7[%select_n3A, %dma_wait3A_87] : memref<32x88xi32, #tpu.memory_space<vmem>> -> memref<1x88xi32, #tpu.memory_space<vmem>>
      %dma_wait3A_89 = tpu.memref_squeeze %dma_wait3A_88 : memref<1x88xi32, #tpu.memory_space<vmem>> -> memref<88xi32, #tpu.memory_space<vmem>>
      %dma_wait3A_90 = arith.constant 0 : i32
      %dma_wait3A_91 = arith.constant 0 : i32
      %dma_wait3A_92 = tpu.memref_slice %arg4[%dma_wait3A_90, %dma_wait3A_91] : memref<100000x128xf32, #tpu.memory_space<hbm>> -> memref<100000x128xf32, #tpu.memory_space<hbm>>
      tpu.wait_indirect_dma semaphore(%arg12 : memref<!tpu.dma_semaphore, #tpu.memory_space<semaphore_mem>>) src(%dma_wait3A_92 : memref<100000x128xf32, #tpu.memory_space<hbm>>) dst(%dma_wait3A_86 : memref<88x128xf32, #tpu.memory_space<vmem>>)
      %scan3A_93 = arith.constant 0 : i32
      %scan3A_94 = arith.constant 0 : i32
      %scan3A_95 = arith.constant 88 : i32
      %scan3A_96 = arith.addi %scan3A_94, %scan3A_95 : i32
      %scan3A_97 = arith.constant 1 : i32
      scf.for %scan3A_448 = %scan3A_94 to %scan3A_96 step %scan3A_97  : i32 {
        %add3A_449 = arith.constant 0 : i32
        %add3A_450 = arith.addi %add3A_449, %scan3A_448 : i32
        %get3A = arith.index_cast %add3A_450 : i32 to index
        %get3A_451 = arith.constant 0 : index
        %get3A_452 = tpu.vector_load %arg11[%get3A, %get3A_451] {strides = array<i32>} : memref<200x128xf32, #tpu.memory_space<vmem>>, vector<1x16xf32>,
        %get3A_453 = vector.shape_cast %get3A_452 : vector<1x16xf32> to vector<16xf32>
        %swap3A = arith.constant 0 : i32
        %swap3A_454 = arith.index_cast %swap3A : i32 to index
        %swap3A_455 = arith.index_cast %scan3A_448 : i32 to index
        %swap3A_456 = arith.constant 0 : index
        %swap3A_457 = tpu.vector_load %arg9[%swap3A_454, %swap3A_455, %swap3A_456] {strides = array<i32>} : memref<2x88x128xf32, #tpu.memory_space<vmem>>, vector<1x1x16xf32>,
        %swap3A_458 = vector.shape_cast %swap3A_457 : vector<1x1x16xf32> to vector<16xf32>
        %swap3A_459 = vector.shape_cast %get3A_453 : vector<16xf32> to vector<1x1x16xf32>
        tpu.vector_store %arg9[%swap3A_454, %swap3A_455, %swap3A_456], %swap3A_459 {add = true, strides = array<i32>} : memref<2x88x128xf32, #tpu.memory_space<vmem>>, vector<1x1x16xf32>,
        %add3A_460 = arith.constant 0 : i32
        %add3A_461 = arith.addi %add3A_460, %scan3A_448 : i32
        %get3A_462 = arith.index_cast %add3A_461 : i32 to index
        %get3A_463 = arith.constant 16 : index
        %get3A_464 = tpu.vector_load %arg11[%get3A_462, %get3A_463] {strides = array<i32>} : memref<200x128xf32, #tpu.memory_space<vmem>>, vector<1x16xf32>,
        %get3A_465 = vector.shape_cast %get3A_464 : vector<1x16xf32> to vector<16xf32>
        %swap3A_466 = arith.constant 0 : i32
        %swap3A_467 = arith.index_cast %swap3A_466 : i32 to index
        %swap3A_468 = arith.index_cast %scan3A_448 : i32 to index
        %swap3A_469 = arith.constant 16 : index
        %swap3A_470 = tpu.vector_load %arg9[%swap3A_467, %swap3A_468, %swap3A_469] {strides = array<i32>} : memref<2x88x128xf32, #tpu.memory_space<vmem>>, vector<1x1x16xf32>,
        %swap3A_471 = vector.shape_cast %swap3A_470 : vector<1x1x16xf32> to vector<16xf32>
        %swap3A_472 = vector.shape_cast %get3A_465 : vector<16xf32> to vector<1x1x16xf32>
        tpu.vector_store %arg9[%swap3A_467, %swap3A_468, %swap3A_469], %swap3A_472 {add = true, strides = array<i32>} : memref<2x88x128xf32, #tpu.memory_space<vmem>>, vector<1x1x16xf32>,
        %add3A_473 = arith.constant 0 : i32
        %add3A_474 = arith.addi %add3A_473, %scan3A_448 : i32
        %get3A_475 = arith.index_cast %add3A_474 : i32 to index
        %get3A_476 = arith.constant 32 : index
        %get3A_477 = tpu.vector_load %arg11[%get3A_475, %get3A_476] {strides = array<i32>} : memref<200x128xf32, #tpu.memory_space<vmem>>, vector<1x16xf32>,
        %get3A_478 = vector.shape_cast %get3A_477 : vector<1x16xf32> to vector<16xf32>
        %swap3A_479 = arith.constant 0 : i32
        %swap3A_480 = arith.index_cast %swap3A_479 : i32 to index
        %swap3A_481 = arith.index_cast %scan3A_448 : i32 to index
        %swap3A_482 = arith.constant 32 : index
        %swap3A_483 = tpu.vector_load %arg9[%swap3A_480, %swap3A_481, %swap3A_482] {strides = array<i32>} : memref<2x88x128xf32, #tpu.memory_space<vmem>>, vector<1x1x16xf32>,
        %swap3A_484 = vector.shape_cast %swap3A_483 : vector<1x1x16xf32> to vector<16xf32>
        %swap3A_485 = vector.shape_cast %get3A_478 : vector<16xf32> to vector<1x1x16xf32>
        tpu.vector_store %arg9[%swap3A_480, %swap3A_481, %swap3A_482], %swap3A_485 {add = true, strides = array<i32>} : memref<2x88x128xf32, #tpu.memory_space<vmem>>, vector<1x1x16xf32>,
        %add3A_486 = arith.constant 0 : i32
        %add3A_487 = arith.addi %add3A_486, %scan3A_448 : i32
        %get3A_488 = arith.index_cast %add3A_487 : i32 to index
        %get3A_489 = arith.constant 48 : index
        %get3A_490 = tpu.vector_load %arg11[%get3A_488, %get3A_489] {strides = array<i32>} : memref<200x128xf32, #tpu.memory_space<vmem>>, vector<1x16xf32>,
        %get3A_491 = vector.shape_cast %get3A_490 : vector<1x16xf32> to vector<16xf32>
        %swap3A_492 = arith.constant 0 : i32
        %swap3A_493 = arith.index_cast %swap3A_492 : i32 to index
        %swap3A_494 = arith.index_cast %scan3A_448 : i32 to index
        %swap3A_495 = arith.constant 48 : index
        %swap3A_496 = tpu.vector_load %arg9[%swap3A_493, %swap3A_494, %swap3A_495] {strides = array<i32>} : memref<2x88x128xf32, #tpu.memory_space<vmem>>, vector<1x1x16xf32>,
        %swap3A_497 = vector.shape_cast %swap3A_496 : vector<1x1x16xf32> to vector<16xf32>
        %swap3A_498 = vector.shape_cast %get3A_491 : vector<16xf32> to vector<1x1x16xf32>
        tpu.vector_store %arg9[%swap3A_493, %swap3A_494, %swap3A_495], %swap3A_498 {add = true, strides = array<i32>} : memref<2x88x128xf32, #tpu.memory_space<vmem>>, vector<1x1x16xf32>,
        %add3A_499 = arith.constant 0 : i32
        %add3A_500 = arith.addi %add3A_499, %scan3A_448 : i32
        %get3A_501 = arith.index_cast %add3A_500 : i32 to index
        %get3A_502 = arith.constant 64 : index
        %get3A_503 = tpu.vector_load %arg11[%get3A_501, %get3A_502] {strides = array<i32>} : memref<200x128xf32, #tpu.memory_space<vmem>>, vector<1x16xf32>,
        %get3A_504 = vector.shape_cast %get3A_503 : vector<1x16xf32> to vector<16xf32>
        %swap3A_505 = arith.constant 0 : i32
        %swap3A_506 = arith.index_cast %swap3A_505 : i32 to index
        %swap3A_507 = arith.index_cast %scan3A_448 : i32 to index
        %swap3A_508 = arith.constant 64 : index
        %swap3A_509 = tpu.vector_load %arg9[%swap3A_506, %swap3A_507, %swap3A_508] {strides = array<i32>} : memref<2x88x128xf32, #tpu.memory_space<vmem>>, vector<1x1x16xf32>,
        %swap3A_510 = vector.shape_cast %swap3A_509 : vector<1x1x16xf32> to vector<16xf32>
        %swap3A_511 = vector.shape_cast %get3A_504 : vector<16xf32> to vector<1x1x16xf32>
        tpu.vector_store %arg9[%swap3A_506, %swap3A_507, %swap3A_508], %swap3A_511 {add = true, strides = array<i32>} : memref<2x88x128xf32, #tpu.memory_space<vmem>>, vector<1x1x16xf32>,
        %add3A_512 = arith.constant 0 : i32
        %add3A_513 = arith.addi %add3A_512, %scan3A_448 : i32
        %get3A_514 = arith.index_cast %add3A_513 : i32 to index
        %get3A_515 = arith.constant 80 : index
        %get3A_516 = tpu.vector_load %arg11[%get3A_514, %get3A_515] {strides = array<i32>} : memref<200x128xf32, #tpu.memory_space<vmem>>, vector<1x16xf32>,
        %get3A_517 = vector.shape_cast %get3A_516 : vector<1x16xf32> to vector<16xf32>
        %swap3A_518 = arith.constant 0 : i32
        %swap3A_519 = arith.index_cast %swap3A_518 : i32 to index
        %swap3A_520 = arith.index_cast %scan3A_448 : i32 to index
        %swap3A_521 = arith.constant 80 : index
        %swap3A_522 = tpu.vector_load %arg9[%swap3A_519, %swap3A_520, %swap3A_521] {strides = array<i32>} : memref<2x88x128xf32, #tpu.memory_space<vmem>>, vector<1x1x16xf32>,
        %swap3A_523 = vector.shape_cast %swap3A_522 : vector<1x1x16xf32> to vector<16xf32>
        %swap3A_524 = vector.shape_cast %get3A_517 : vector<16xf32> to vector<1x1x16xf32>
        tpu.vector_store %arg9[%swap3A_519, %swap3A_520, %swap3A_521], %swap3A_524 {add = true, strides = array<i32>} : memref<2x88x128xf32, #tpu.memory_space<vmem>>, vector<1x1x16xf32>,
        %add3A_525 = arith.constant 0 : i32
        %add3A_526 = arith.addi %add3A_525, %scan3A_448 : i32
        %get3A_527 = arith.index_cast %add3A_526 : i32 to index
        %get3A_528 = arith.constant 96 : index
        %get3A_529 = tpu.vector_load %arg11[%get3A_527, %get3A_528] {strides = array<i32>} : memref<200x128xf32, #tpu.memory_space<vmem>>, vector<1x16xf32>,
        %get3A_530 = vector.shape_cast %get3A_529 : vector<1x16xf32> to vector<16xf32>
        %swap3A_531 = arith.constant 0 : i32
        %swap3A_532 = arith.index_cast %swap3A_531 : i32 to index
        %swap3A_533 = arith.index_cast %scan3A_448 : i32 to index
        %swap3A_534 = arith.constant 96 : index
        %swap3A_535 = tpu.vector_load %arg9[%swap3A_532, %swap3A_533, %swap3A_534] {strides = array<i32>} : memref<2x88x128xf32, #tpu.memory_space<vmem>>, vector<1x1x16xf32>,
        %swap3A_536 = vector.shape_cast %swap3A_535 : vector<1x1x16xf32> to vector<16xf32>
        %swap3A_537 = vector.shape_cast %get3A_530 : vector<16xf32> to vector<1x1x16xf32>
        tpu.vector_store %arg9[%swap3A_532, %swap3A_533, %swap3A_534], %swap3A_537 {add = true, strides = array<i32>} : memref<2x88x128xf32, #tpu.memory_space<vmem>>, vector<1x1x16xf32>,
        %add3A_538 = arith.constant 0 : i32
        %add3A_539 = arith.addi %add3A_538, %scan3A_448 : i32
        %get3A_540 = arith.index_cast %add3A_539 : i32 to index
        %get3A_541 = arith.constant 112 : index
        %get3A_542 = tpu.vector_load %arg11[%get3A_540, %get3A_541] {strides = array<i32>} : memref<200x128xf32, #tpu.memory_space<vmem>>, vector<1x16xf32>,
        %get3A_543 = vector.shape_cast %get3A_542 : vector<1x16xf32> to vector<16xf32>
        %swap3A_544 = arith.constant 0 : i32
        %swap3A_545 = arith.index_cast %swap3A_544 : i32 to index
        %swap3A_546 = arith.index_cast %scan3A_448 : i32 to index
        %swap3A_547 = arith.constant 112 : index
        %swap3A_548 = tpu.vector_load %arg9[%swap3A_545, %swap3A_546, %swap3A_547] {strides = array<i32>} : memref<2x88x128xf32, #tpu.memory_space<vmem>>, vector<1x1x16xf32>,
        %swap3A_549 = vector.shape_cast %swap3A_548 : vector<1x1x16xf32> to vector<16xf32>
        %swap3A_550 = vector.shape_cast %get3A_543 : vector<16xf32> to vector<1x1x16xf32>
        tpu.vector_store %arg9[%swap3A_545, %swap3A_546, %swap3A_547], %swap3A_550 {add = true, strides = array<i32>} : memref<2x88x128xf32, #tpu.memory_space<vmem>>, vector<1x1x16xf32>,
      }
      %scan3A_98 = arith.constant 88 : i32
      %ge3A = arith.constant 1 : i32
      %ge3A_99 = arith.cmpi sge, %add3A_65, %ge3A : i32
      %convert_element_type3A = arith.extui %ge3A_99 : i1 to i32
      %cond3A = arith.constant 0 : i32
      %cond3A_100 = arith.cmpi ne, %convert_element_type3A, %cond3A : i32
      scf.if %cond3A_100 {
        %sub3A_448 = arith.constant 1 : i32
        %sub3A_449 = arith.subi %add3A_65, %sub3A_448 : i32
        %jit3A_450 = arith.constant 2 : i32
        %div3A_451 = arith.divsi %sub3A_449, %jit3A_450 : i32
        %sign3A_452 = arith.constant 0 : i32
        %sign3A_453 = arith.cmpi sgt, %sub3A_449, %sign3A_452 : i32
        %sign3A_454 = arith.extui %sign3A_453 : i1 to i32
        %sign3A_455 = arith.constant 0 : i32
        %sign3A_456 = arith.cmpi slt, %sub3A_449, %sign3A_455 : i32
        %sign3A_457 = arith.extui %sign3A_456 : i1 to i32
        %sign3A_458 = arith.subi %sign3A_454, %sign3A_457 : i32
        %sign3A_459 = arith.constant 0 : i32
        %sign3A_460 = arith.cmpi sgt, %jit3A_450, %sign3A_459 : i32
        %sign3A_461 = arith.extui %sign3A_460 : i1 to i32
        %sign3A_462 = arith.constant 0 : i32
        %sign3A_463 = arith.cmpi slt, %jit3A_450, %sign3A_462 : i32
        %sign3A_464 = arith.extui %sign3A_463 : i1 to i32
        %sign3A_465 = arith.subi %sign3A_461, %sign3A_464 : i32
        %ne3A_466 = arith.cmpi ne, %sign3A_458, %sign3A_465 : i32
        %rem3A_467 = arith.remsi %sub3A_449, %jit3A_450 : i32
        %ne3A_468 = arith.constant 0 : i32
        %ne3A_469 = arith.cmpi ne, %rem3A_467, %ne3A_468 : i32
        %and3A_470 = arith.andi %ne3A_466, %ne3A_469 : i1
        %sub3A_471 = arith.constant 1 : i32
        %sub3A_472 = arith.subi %div3A_451, %sub3A_471 : i32
        %select_n3A_473 = arith.select %and3A_470, %sub3A_472, %div3A_451 : i32
        %add3A_474 = arith.addi %mul3A_2, %select_n3A_473 : i32
        %dma_wait3A_475 = arith.constant 1 : i32
        %dma_wait3A_476 = arith.constant 0 : i32
        %dma_wait3A_477 = arith.constant 0 : i32
        %dma_wait3A_478 = tpu.memref_slice %arg10[%dma_wait3A_475, %dma_wait3A_476, %dma_wait3A_477] : memref<2x112x128xf32, #tpu.memory_space<vmem>> -> memref<1x112x128xf32, #tpu.memory_space<vmem>>
        %dma_wait3A_479 = tpu.memref_squeeze %dma_wait3A_478 : memref<1x112x128xf32, #tpu.memory_space<vmem>> -> memref<112x128xf32, #tpu.memory_space<vmem>>
        %dma_wait3A_480 = arith.constant 88 : i32
        %dma_wait3A_481 = arith.constant 0 : i32
        %dma_wait3A_482 = tpu.memref_slice %arg6[%add3A_474, %dma_wait3A_480, %dma_wait3A_481] : memref<1024x200x128xf32, #tpu.memory_space<hbm>> -> memref<1x112x128xf32, #tpu.memory_space<hbm>>
        %dma_wait3A_483 = tpu.memref_squeeze %dma_wait3A_482 : memref<1x112x128xf32, #tpu.memory_space<hbm>> -> memref<112x128xf32, #tpu.memory_space<hbm>>
        %dma_wait3A_484 = arith.constant 88 : i32
        %dma_wait3A_485 = arith.constant 0 : i32
        %dma_wait3A_486 = tpu.memref_slice %arg6[%add3A_474, %dma_wait3A_484, %dma_wait3A_485] : memref<1024x200x128xf32, #tpu.memory_space<hbm>> -> memref<1x112x128xf32, #tpu.memory_space<hbm>>
        %dma_wait3A_487 = tpu.memref_squeeze %dma_wait3A_486 : memref<1x112x128xf32, #tpu.memory_space<hbm>> -> memref<112x128xf32, #tpu.memory_space<hbm>>
        %dma_wait3A_488 = arith.constant 0 : i32
        %dma_wait3A_489 = arith.constant 0 : i32
        %dma_wait3A_490 = tpu.memref_slice %arg10[%dma_wait3A_475, %dma_wait3A_488, %dma_wait3A_489] : memref<2x112x128xf32, #tpu.memory_space<vmem>> -> memref<1x112x128xf32, #tpu.memory_space<vmem>>
        %dma_wait3A_491 = tpu.memref_squeeze %dma_wait3A_490 : memref<1x112x128xf32, #tpu.memory_space<vmem>> -> memref<112x128xf32, #tpu.memory_space<vmem>>
        tpu.wait_dma2 semaphore(%arg19 : memref<!tpu.dma_semaphore, #tpu.memory_space<semaphore_mem>>) src(%dma_wait3A_491 : memref<112x128xf32, #tpu.memory_space<vmem>>) dst(%dma_wait3A_487 : memref<112x128xf32, #tpu.memory_space<hbm>>)
      } else {
      }
      %add3A_101 = arith.constant 4 : i32
      %add3A_102 = arith.addi %add3A_65, %add3A_101 : i32
      %sub3A_103 = arith.constant 1 : i32
      %sub3A_104 = arith.subi %add3A_102, %sub3A_103 : i32
      %lt3A = arith.constant 64 : i32
      %lt3A_105 = arith.cmpi slt, %sub3A_104, %lt3A : i32
      %convert_element_type3A_106 = arith.extui %lt3A_105 : i1 to i32
      %cond3A_107 = arith.constant 0 : i32
      %cond3A_108 = arith.cmpi ne, %convert_element_type3A_106, %cond3A_107 : i32
      scf.if %cond3A_108 {
        %add3A_448 = arith.constant 4 : i32
        %add3A_449 = arith.addi %add3A_65, %add3A_448 : i32
        %sub3A_450 = arith.constant 1 : i32
        %sub3A_451 = arith.subi %add3A_449, %sub3A_450 : i32
        %jit3A_452 = arith.constant 2 : i32
        %div3A_453 = arith.divsi %sub3A_451, %jit3A_452 : i32
        %sign3A_454 = arith.constant 0 : i32
        %sign3A_455 = arith.cmpi sgt, %sub3A_451, %sign3A_454 : i32
        %sign3A_456 = arith.extui %sign3A_455 : i1 to i32
        %sign3A_457 = arith.constant 0 : i32
        %sign3A_458 = arith.cmpi slt, %sub3A_451, %sign3A_457 : i32
        %sign3A_459 = arith.extui %sign3A_458 : i1 to i32
        %sign3A_460 = arith.subi %sign3A_456, %sign3A_459 : i32
        %sign3A_461 = arith.constant 0 : i32
        %sign3A_462 = arith.cmpi sgt, %jit3A_452, %sign3A_461 : i32
        %sign3A_463 = arith.extui %sign3A_462 : i1 to i32
        %sign3A_464 = arith.constant 0 : i32
        %sign3A_465 = arith.cmpi slt, %jit3A_452, %sign3A_464 : i32
        %sign3A_466 = arith.extui %sign3A_465 : i1 to i32
        %sign3A_467 = arith.subi %sign3A_463, %sign3A_466 : i32
        %ne3A_468 = arith.cmpi ne, %sign3A_460, %sign3A_467 : i32
        %rem3A_469 = arith.remsi %sub3A_451, %jit3A_452 : i32
        %ne3A_470 = arith.constant 0 : i32
        %ne3A_471 = arith.cmpi ne, %rem3A_469, %ne3A_470 : i32
        %and3A_472 = arith.andi %ne3A_468, %ne3A_471 : i1
        %sub3A_473 = arith.constant 1 : i32
        %sub3A_474 = arith.subi %div3A_453, %sub3A_473 : i32
        %select_n3A_475 = arith.select %and3A_472, %sub3A_474, %div3A_453 : i32
        %dma_start3A_476 = arith.constant 1 : i32
        %dma_start3A_477 = arith.constant 0 : i32
        %dma_start3A_478 = arith.constant 0 : i32
        %dma_start3A_479 = tpu.memref_slice %arg10[%dma_start3A_476, %dma_start3A_477, %dma_start3A_478] : memref<2x112x128xf32, #tpu.memory_space<vmem>> -> memref<1x112x128xf32, #tpu.memory_space<vmem>>
        %dma_start3A_480 = tpu.memref_squeeze %dma_start3A_479 : memref<1x112x128xf32, #tpu.memory_space<vmem>> -> memref<112x128xf32, #tpu.memory_space<vmem>>
        %dma_start3A_481 = arith.constant 0 : i32
        %dma_start3A_482 = tpu.memref_slice %arg8[%select_n3A_475, %dma_start3A_481] : memref<32x112xi32, #tpu.memory_space<vmem>> -> memref<1x112xi32, #tpu.memory_space<vmem>>
        %dma_start3A_483 = tpu.memref_squeeze %dma_start3A_482 : memref<1x112xi32, #tpu.memory_space<vmem>> -> memref<112xi32, #tpu.memory_space<vmem>>
        %dma_start3A_484 = arith.constant 0 : i32
        %dma_start3A_485 = arith.constant 0 : i32
        %dma_start3A_486 = tpu.memref_slice %arg4[%dma_start3A_484, %dma_start3A_485] : memref<100000x128xf32, #tpu.memory_space<hbm>> -> memref<100000x128xf32, #tpu.memory_space<hbm>>
        tpu.enqueue_indirect_dma source(%dma_start3A_486 : memref<100000x128xf32, #tpu.memory_space<hbm>>) target(%dma_start3A_480 : memref<112x128xf32, #tpu.memory_space<vmem>>) offsets(%dma_start3A_483 : memref<112xi32, #tpu.memory_space<vmem>>) semaphore(%arg15 : memref<!tpu.dma_semaphore, #tpu.memory_space<semaphore_mem>>)
      } else {
      }
      %jit3A_109 = arith.constant 2 : i32
      %div3A_110 = arith.divsi %add3A_65, %jit3A_109 : i32
      %sign3A_111 = arith.constant 0 : i32
      %sign3A_112 = arith.cmpi sgt, %add3A_65, %sign3A_111 : i32
      %sign3A_113 = arith.extui %sign3A_112 : i1 to i32
      %sign3A_114 = arith.constant 0 : i32
      %sign3A_115 = arith.cmpi slt, %add3A_65, %sign3A_114 : i32
      %sign3A_116 = arith.extui %sign3A_115 : i1 to i32
      %sign3A_117 = arith.subi %sign3A_113, %sign3A_116 : i32
      %sign3A_118 = arith.constant 0 : i32
      %sign3A_119 = arith.cmpi sgt, %jit3A_109, %sign3A_118 : i32
      %sign3A_120 = arith.extui %sign3A_119 : i1 to i32
      %sign3A_121 = arith.constant 0 : i32
      %sign3A_122 = arith.cmpi slt, %jit3A_109, %sign3A_121 : i32
      %sign3A_123 = arith.extui %sign3A_122 : i1 to i32
      %sign3A_124 = arith.subi %sign3A_120, %sign3A_123 : i32
      %ne3A_125 = arith.cmpi ne, %sign3A_117, %sign3A_124 : i32
      %rem3A_126 = arith.remsi %add3A_65, %jit3A_109 : i32
      %ne3A_127 = arith.constant 0 : i32
      %ne3A_128 = arith.cmpi ne, %rem3A_126, %ne3A_127 : i32
      %and3A_129 = arith.andi %ne3A_125, %ne3A_128 : i1
      %sub3A_130 = arith.constant 1 : i32
      %sub3A_131 = arith.subi %div3A_110, %sub3A_130 : i32
      %select_n3A_132 = arith.select %and3A_129, %sub3A_131, %div3A_110 : i32
      %add3A_133 = arith.addi %mul3A_2, %select_n3A_132 : i32
      %dma_start3A_134 = arith.constant 0 : i32
      %dma_start3A_135 = arith.constant 0 : i32
      %dma_start3A_136 = arith.constant 0 : i32
      %dma_start3A_137 = tpu.memref_slice %arg9[%dma_start3A_134, %dma_start3A_135, %dma_start3A_136] : memref<2x88x128xf32, #tpu.memory_space<vmem>> -> memref<1x88x128xf32, #tpu.memory_space<vmem>>
      %dma_start3A_138 = tpu.memref_squeeze %dma_start3A_137 : memref<1x88x128xf32, #tpu.memory_space<vmem>> -> memref<88x128xf32, #tpu.memory_space<vmem>>
      %dma_start3A_139 = arith.constant 0 : i32
      %dma_start3A_140 = arith.constant 0 : i32
      %dma_start3A_141 = tpu.memref_slice %arg6[%add3A_133, %dma_start3A_139, %dma_start3A_140] : memref<1024x200x128xf32, #tpu.memory_space<hbm>> -> memref<1x88x128xf32, #tpu.memory_space<hbm>>
      %dma_start3A_142 = tpu.memref_squeeze %dma_start3A_141 : memref<1x88x128xf32, #tpu.memory_space<hbm>> -> memref<88x128xf32, #tpu.memory_space<hbm>>
      %dma_start3A_143 = arith.constant 0 : i32
      %dma_start3A_144 = arith.constant 0 : i32
      %dma_start3A_145 = tpu.memref_slice %arg6[%add3A_133, %dma_start3A_143, %dma_start3A_144] : memref<1024x200x128xf32, #tpu.memory_space<hbm>> -> memref<1x88x128xf32, #tpu.memory_space<hbm>>
      %dma_start3A_146 = tpu.memref_squeeze %dma_start3A_145 : memref<1x88x128xf32, #tpu.memory_space<hbm>> -> memref<88x128xf32, #tpu.memory_space<hbm>>
      %dma_start3A_147 = arith.constant 0 : i32
      %dma_start3A_148 = arith.constant 0 : i32
      %dma_start3A_149 = tpu.memref_slice %arg9[%dma_start3A_134, %dma_start3A_147, %dma_start3A_148] : memref<2x88x128xf32, #tpu.memory_space<vmem>> -> memref<1x88x128xf32, #tpu.memory_space<vmem>>
      %dma_start3A_150 = tpu.memref_squeeze %dma_start3A_149 : memref<1x88x128xf32, #tpu.memory_space<vmem>> -> memref<88x128xf32, #tpu.memory_space<vmem>>
      tpu.enqueue_dma source(%dma_start3A_150 : memref<88x128xf32, #tpu.memory_space<vmem>>) target(%dma_start3A_146 : memref<88x128xf32, #tpu.memory_space<hbm>>) target_semaphore(%arg16 : memref<!tpu.dma_semaphore, #tpu.memory_space<semaphore_mem>>)
      %add3A_151 = arith.constant 1 : i32
      %add3A_152 = arith.addi %mul3A_63, %add3A_151 : i32
      %jit3A_153 = arith.constant 2 : i32
      %div3A_154 = arith.divsi %add3A_152, %jit3A_153 : i32
      %sign3A_155 = arith.constant 0 : i32
      %sign3A_156 = arith.cmpi sgt, %add3A_152, %sign3A_155 : i32
      %sign3A_157 = arith.extui %sign3A_156 : i1 to i32
      %sign3A_158 = arith.constant 0 : i32
      %sign3A_159 = arith.cmpi slt, %add3A_152, %sign3A_158 : i32
      %sign3A_160 = arith.extui %sign3A_159 : i1 to i32
      %sign3A_161 = arith.subi %sign3A_157, %sign3A_160 : i32
      %sign3A_162 = arith.constant 0 : i32
      %sign3A_163 = arith.cmpi sgt, %jit3A_153, %sign3A_162 : i32
      %sign3A_164 = arith.extui %sign3A_163 : i1 to i32
      %sign3A_165 = arith.constant 0 : i32
      %sign3A_166 = arith.cmpi slt, %jit3A_153, %sign3A_165 : i32
      %sign3A_167 = arith.extui %sign3A_166 : i1 to i32
      %sign3A_168 = arith.subi %sign3A_164, %sign3A_167 : i32
      %ne3A_169 = arith.cmpi ne, %sign3A_161, %sign3A_168 : i32
      %rem3A_170 = arith.remsi %add3A_152, %jit3A_153 : i32
      %ne3A_171 = arith.constant 0 : i32
      %ne3A_172 = arith.cmpi ne, %rem3A_170, %ne3A_171 : i32
      %and3A_173 = arith.andi %ne3A_169, %ne3A_172 : i1
      %sub3A_174 = arith.constant 1 : i32
      %sub3A_175 = arith.subi %div3A_154, %sub3A_174 : i32
      %select_n3A_176 = arith.select %and3A_173, %sub3A_175, %div3A_154 : i32
      %dma_wait3A_177 = arith.constant 0 : i32
      %dma_wait3A_178 = arith.constant 0 : i32
      %dma_wait3A_179 = arith.constant 0 : i32
      %dma_wait3A_180 = tpu.memref_slice %arg10[%dma_wait3A_177, %dma_wait3A_178, %dma_wait3A_179] : memref<2x112x128xf32, #tpu.memory_space<vmem>> -> memref<1x112x128xf32, #tpu.memory_space<vmem>>
      %dma_wait3A_181 = tpu.memref_squeeze %dma_wait3A_180 : memref<1x112x128xf32, #tpu.memory_space<vmem>> -> memref<112x128xf32, #tpu.memory_space<vmem>>
      %dma_wait3A_182 = arith.constant 0 : i32
      %dma_wait3A_183 = tpu.memref_slice %arg8[%select_n3A_176, %dma_wait3A_182] : memref<32x112xi32, #tpu.memory_space<vmem>> -> memref<1x112xi32, #tpu.memory_space<vmem>>
      %dma_wait3A_184 = tpu.memref_squeeze %dma_wait3A_183 : memref<1x112xi32, #tpu.memory_space<vmem>> -> memref<112xi32, #tpu.memory_space<vmem>>
      %dma_wait3A_185 = arith.constant 0 : i32
      %dma_wait3A_186 = arith.constant 0 : i32
      %dma_wait3A_187 = tpu.memref_slice %arg4[%dma_wait3A_185, %dma_wait3A_186] : memref<100000x128xf32, #tpu.memory_space<hbm>> -> memref<100000x128xf32, #tpu.memory_space<hbm>>
      tpu.wait_indirect_dma semaphore(%arg13 : memref<!tpu.dma_semaphore, #tpu.memory_space<semaphore_mem>>) src(%dma_wait3A_187 : memref<100000x128xf32, #tpu.memory_space<hbm>>) dst(%dma_wait3A_181 : memref<112x128xf32, #tpu.memory_space<vmem>>)
      %scan3A_188 = arith.constant 0 : i32
      %scan3A_189 = arith.constant 0 : i32
      %scan3A_190 = arith.constant 112 : i32
      %scan3A_191 = arith.addi %scan3A_189, %scan3A_190 : i32
      %scan3A_192 = arith.constant 1 : i32
      scf.for %scan3A_448 = %scan3A_189 to %scan3A_191 step %scan3A_192  : i32 {
        %add3A_449 = arith.constant 88 : i32
        %add3A_450 = arith.addi %add3A_449, %scan3A_448 : i32
        %get3A = arith.index_cast %add3A_450 : i32 to index
        %get3A_451 = arith.constant 0 : index
        %get3A_452 = tpu.vector_load %arg11[%get3A, %get3A_451] {strides = array<i32>} : memref<200x128xf32, #tpu.memory_space<vmem>>, vector<1x16xf32>,
        %get3A_453 = vector.shape_cast %get3A_452 : vector<1x16xf32> to vector<16xf32>
        %swap3A = arith.constant 0 : i32
        %swap3A_454 = arith.index_cast %swap3A : i32 to index
        %swap3A_455 = arith.index_cast %scan3A_448 : i32 to index
        %swap3A_456 = arith.constant 0 : index
        %swap3A_457 = tpu.vector_load %arg10[%swap3A_454, %swap3A_455, %swap3A_456] {strides = array<i32>} : memref<2x112x128xf32, #tpu.memory_space<vmem>>, vector<1x1x16xf32>,
        %swap3A_458 = vector.shape_cast %swap3A_457 : vector<1x1x16xf32> to vector<16xf32>
        %swap3A_459 = vector.shape_cast %get3A_453 : vector<16xf32> to vector<1x1x16xf32>
        tpu.vector_store %arg10[%swap3A_454, %swap3A_455, %swap3A_456], %swap3A_459 {add = true, strides = array<i32>} : memref<2x112x128xf32, #tpu.memory_space<vmem>>, vector<1x1x16xf32>,
        %add3A_460 = arith.constant 88 : i32
        %add3A_461 = arith.addi %add3A_460, %scan3A_448 : i32
        %get3A_462 = arith.index_cast %add3A_461 : i32 to index
        %get3A_463 = arith.constant 16 : index
        %get3A_464 = tpu.vector_load %arg11[%get3A_462, %get3A_463] {strides = array<i32>} : memref<200x128xf32, #tpu.memory_space<vmem>>, vector<1x16xf32>,
        %get3A_465 = vector.shape_cast %get3A_464 : vector<1x16xf32> to vector<16xf32>
        %swap3A_466 = arith.constant 0 : i32
        %swap3A_467 = arith.index_cast %swap3A_466 : i32 to index
        %swap3A_468 = arith.index_cast %scan3A_448 : i32 to index
        %swap3A_469 = arith.constant 16 : index
        %swap3A_470 = tpu.vector_load %arg10[%swap3A_467, %swap3A_468, %swap3A_469] {strides = array<i32>} : memref<2x112x128xf32, #tpu.memory_space<vmem>>, vector<1x1x16xf32>,
        %swap3A_471 = vector.shape_cast %swap3A_470 : vector<1x1x16xf32> to vector<16xf32>
        %swap3A_472 = vector.shape_cast %get3A_465 : vector<16xf32> to vector<1x1x16xf32>
        tpu.vector_store %arg10[%swap3A_467, %swap3A_468, %swap3A_469], %swap3A_472 {add = true, strides = array<i32>} : memref<2x112x128xf32, #tpu.memory_space<vmem>>, vector<1x1x16xf32>,
        %add3A_473 = arith.constant 88 : i32
        %add3A_474 = arith.addi %add3A_473, %scan3A_448 : i32
        %get3A_475 = arith.index_cast %add3A_474 : i32 to index
        %get3A_476 = arith.constant 32 : index
        %get3A_477 = tpu.vector_load %arg11[%get3A_475, %get3A_476] {strides = array<i32>} : memref<200x128xf32, #tpu.memory_space<vmem>>, vector<1x16xf32>,
        %get3A_478 = vector.shape_cast %get3A_477 : vector<1x16xf32> to vector<16xf32>
        %swap3A_479 = arith.constant 0 : i32
        %swap3A_480 = arith.index_cast %swap3A_479 : i32 to index
        %swap3A_481 = arith.index_cast %scan3A_448 : i32 to index
        %swap3A_482 = arith.constant 32 : index
        %swap3A_483 = tpu.vector_load %arg10[%swap3A_480, %swap3A_481, %swap3A_482] {strides = array<i32>} : memref<2x112x128xf32, #tpu.memory_space<vmem>>, vector<1x1x16xf32>,
        %swap3A_484 = vector.shape_cast %swap3A_483 : vector<1x1x16xf32> to vector<16xf32>
        %swap3A_485 = vector.shape_cast %get3A_478 : vector<16xf32> to vector<1x1x16xf32>
        tpu.vector_store %arg10[%swap3A_480, %swap3A_481, %swap3A_482], %swap3A_485 {add = true, strides = array<i32>} : memref<2x112x128xf32, #tpu.memory_space<vmem>>, vector<1x1x16xf32>,
        %add3A_486 = arith.constant 88 : i32
        %add3A_487 = arith.addi %add3A_486, %scan3A_448 : i32
        %get3A_488 = arith.index_cast %add3A_487 : i32 to index
        %get3A_489 = arith.constant 48 : index
        %get3A_490 = tpu.vector_load %arg11[%get3A_488, %get3A_489] {strides = array<i32>} : memref<200x128xf32, #tpu.memory_space<vmem>>, vector<1x16xf32>,
        %get3A_491 = vector.shape_cast %get3A_490 : vector<1x16xf32> to vector<16xf32>
        %swap3A_492 = arith.constant 0 : i32
        %swap3A_493 = arith.index_cast %swap3A_492 : i32 to index
        %swap3A_494 = arith.index_cast %scan3A_448 : i32 to index
        %swap3A_495 = arith.constant 48 : index
        %swap3A_496 = tpu.vector_load %arg10[%swap3A_493, %swap3A_494, %swap3A_495] {strides = array<i32>} : memref<2x112x128xf32, #tpu.memory_space<vmem>>, vector<1x1x16xf32>,
        %swap3A_497 = vector.shape_cast %swap3A_496 : vector<1x1x16xf32> to vector<16xf32>
        %swap3A_498 = vector.shape_cast %get3A_491 : vector<16xf32> to vector<1x1x16xf32>
        tpu.vector_store %arg10[%swap3A_493, %swap3A_494, %swap3A_495], %swap3A_498 {add = true, strides = array<i32>} : memref<2x112x128xf32, #tpu.memory_space<vmem>>, vector<1x1x16xf32>,
        %add3A_499 = arith.constant 88 : i32
        %add3A_500 = arith.addi %add3A_499, %scan3A_448 : i32
        %get3A_501 = arith.index_cast %add3A_500 : i32 to index
        %get3A_502 = arith.constant 64 : index
        %get3A_503 = tpu.vector_load %arg11[%get3A_501, %get3A_502] {strides = array<i32>} : memref<200x128xf32, #tpu.memory_space<vmem>>, vector<1x16xf32>,
        %get3A_504 = vector.shape_cast %get3A_503 : vector<1x16xf32> to vector<16xf32>
        %swap3A_505 = arith.constant 0 : i32
        %swap3A_506 = arith.index_cast %swap3A_505 : i32 to index
        %swap3A_507 = arith.index_cast %scan3A_448 : i32 to index
        %swap3A_508 = arith.constant 64 : index
        %swap3A_509 = tpu.vector_load %arg10[%swap3A_506, %swap3A_507, %swap3A_508] {strides = array<i32>} : memref<2x112x128xf32, #tpu.memory_space<vmem>>, vector<1x1x16xf32>,
        %swap3A_510 = vector.shape_cast %swap3A_509 : vector<1x1x16xf32> to vector<16xf32>
        %swap3A_511 = vector.shape_cast %get3A_504 : vector<16xf32> to vector<1x1x16xf32>
        tpu.vector_store %arg10[%swap3A_506, %swap3A_507, %swap3A_508], %swap3A_511 {add = true, strides = array<i32>} : memref<2x112x128xf32, #tpu.memory_space<vmem>>, vector<1x1x16xf32>,
        %add3A_512 = arith.constant 88 : i32
        %add3A_513 = arith.addi %add3A_512, %scan3A_448 : i32
        %get3A_514 = arith.index_cast %add3A_513 : i32 to index
        %get3A_515 = arith.constant 80 : index
        %get3A_516 = tpu.vector_load %arg11[%get3A_514, %get3A_515] {strides = array<i32>} : memref<200x128xf32, #tpu.memory_space<vmem>>, vector<1x16xf32>,
        %get3A_517 = vector.shape_cast %get3A_516 : vector<1x16xf32> to vector<16xf32>
        %swap3A_518 = arith.constant 0 : i32
        %swap3A_519 = arith.index_cast %swap3A_518 : i32 to index
        %swap3A_520 = arith.index_cast %scan3A_448 : i32 to index
        %swap3A_521 = arith.constant 80 : index
        %swap3A_522 = tpu.vector_load %arg10[%swap3A_519, %swap3A_520, %swap3A_521] {strides = array<i32>} : memref<2x112x128xf32, #tpu.memory_space<vmem>>, vector<1x1x16xf32>,
        %swap3A_523 = vector.shape_cast %swap3A_522 : vector<1x1x16xf32> to vector<16xf32>
        %swap3A_524 = vector.shape_cast %get3A_517 : vector<16xf32> to vector<1x1x16xf32>
        tpu.vector_store %arg10[%swap3A_519, %swap3A_520, %swap3A_521], %swap3A_524 {add = true, strides = array<i32>} : memref<2x112x128xf32, #tpu.memory_space<vmem>>, vector<1x1x16xf32>,
        %add3A_525 = arith.constant 88 : i32
        %add3A_526 = arith.addi %add3A_525, %scan3A_448 : i32
        %get3A_527 = arith.index_cast %add3A_526 : i32 to index
        %get3A_528 = arith.constant 96 : index
        %get3A_529 = tpu.vector_load %arg11[%get3A_527, %get3A_528] {strides = array<i32>} : memref<200x128xf32, #tpu.memory_space<vmem>>, vector<1x16xf32>,
        %get3A_530 = vector.shape_cast %get3A_529 : vector<1x16xf32> to vector<16xf32>
        %swap3A_531 = arith.constant 0 : i32
        %swap3A_532 = arith.index_cast %swap3A_531 : i32 to index
        %swap3A_533 = arith.index_cast %scan3A_448 : i32 to index
        %swap3A_534 = arith.constant 96 : index
        %swap3A_535 = tpu.vector_load %arg10[%swap3A_532, %swap3A_533, %swap3A_534] {strides = array<i32>} : memref<2x112x128xf32, #tpu.memory_space<vmem>>, vector<1x1x16xf32>,
        %swap3A_536 = vector.shape_cast %swap3A_535 : vector<1x1x16xf32> to vector<16xf32>
        %swap3A_537 = vector.shape_cast %get3A_530 : vector<16xf32> to vector<1x1x16xf32>
        tpu.vector_store %arg10[%swap3A_532, %swap3A_533, %swap3A_534], %swap3A_537 {add = true, strides = array<i32>} : memref<2x112x128xf32, #tpu.memory_space<vmem>>, vector<1x1x16xf32>,
        %add3A_538 = arith.constant 88 : i32
        %add3A_539 = arith.addi %add3A_538, %scan3A_448 : i32
        %get3A_540 = arith.index_cast %add3A_539 : i32 to index
        %get3A_541 = arith.constant 112 : index
        %get3A_542 = tpu.vector_load %arg11[%get3A_540, %get3A_541] {strides = array<i32>} : memref<200x128xf32, #tpu.memory_space<vmem>>, vector<1x16xf32>,
        %get3A_543 = vector.shape_cast %get3A_542 : vector<1x16xf32> to vector<16xf32>
        %swap3A_544 = arith.constant 0 : i32
        %swap3A_545 = arith.index_cast %swap3A_544 : i32 to index
        %swap3A_546 = arith.index_cast %scan3A_448 : i32 to index
        %swap3A_547 = arith.constant 112 : index
        %swap3A_548 = tpu.vector_load %arg10[%swap3A_545, %swap3A_546, %swap3A_547] {strides = array<i32>} : memref<2x112x128xf32, #tpu.memory_space<vmem>>, vector<1x1x16xf32>,
        %swap3A_549 = vector.shape_cast %swap3A_548 : vector<1x1x16xf32> to vector<16xf32>
        %swap3A_550 = vector.shape_cast %get3A_543 : vector<16xf32> to vector<1x1x16xf32>
        tpu.vector_store %arg10[%swap3A_545, %swap3A_546, %swap3A_547], %swap3A_550 {add = true, strides = array<i32>} : memref<2x112x128xf32, #tpu.memory_space<vmem>>, vector<1x1x16xf32>,
      }
      %scan3A_193 = arith.constant 112 : i32
      %ge3A_194 = arith.constant 1 : i32
      %ge3A_195 = arith.cmpi sge, %add3A_152, %ge3A_194 : i32
      %convert_element_type3A_196 = arith.extui %ge3A_195 : i1 to i32
      %cond3A_197 = arith.constant 0 : i32
      %cond3A_198 = arith.cmpi ne, %convert_element_type3A_196, %cond3A_197 : i32
      scf.if %cond3A_198 {
        %sub3A_448 = arith.constant 1 : i32
        %sub3A_449 = arith.subi %add3A_152, %sub3A_448 : i32
        %jit3A_450 = arith.constant 2 : i32
        %div3A_451 = arith.divsi %sub3A_449, %jit3A_450 : i32
        %sign3A_452 = arith.constant 0 : i32
        %sign3A_453 = arith.cmpi sgt, %sub3A_449, %sign3A_452 : i32
        %sign3A_454 = arith.extui %sign3A_453 : i1 to i32
        %sign3A_455 = arith.constant 0 : i32
        %sign3A_456 = arith.cmpi slt, %sub3A_449, %sign3A_455 : i32
        %sign3A_457 = arith.extui %sign3A_456 : i1 to i32
        %sign3A_458 = arith.subi %sign3A_454, %sign3A_457 : i32
        %sign3A_459 = arith.constant 0 : i32
        %sign3A_460 = arith.cmpi sgt, %jit3A_450, %sign3A_459 : i32
        %sign3A_461 = arith.extui %sign3A_460 : i1 to i32
        %sign3A_462 = arith.constant 0 : i32
        %sign3A_463 = arith.cmpi slt, %jit3A_450, %sign3A_462 : i32
        %sign3A_464 = arith.extui %sign3A_463 : i1 to i32
        %sign3A_465 = arith.subi %sign3A_461, %sign3A_464 : i32
        %ne3A_466 = arith.cmpi ne, %sign3A_458, %sign3A_465 : i32
        %rem3A_467 = arith.remsi %sub3A_449, %jit3A_450 : i32
        %ne3A_468 = arith.constant 0 : i32
        %ne3A_469 = arith.cmpi ne, %rem3A_467, %ne3A_468 : i32
        %and3A_470 = arith.andi %ne3A_466, %ne3A_469 : i1
        %sub3A_471 = arith.constant 1 : i32
        %sub3A_472 = arith.subi %div3A_451, %sub3A_471 : i32
        %select_n3A_473 = arith.select %and3A_470, %sub3A_472, %div3A_451 : i32
        %add3A_474 = arith.addi %mul3A_2, %select_n3A_473 : i32
        %dma_wait3A_475 = arith.constant 0 : i32
        %dma_wait3A_476 = arith.constant 0 : i32
        %dma_wait3A_477 = arith.constant 0 : i32
        %dma_wait3A_478 = tpu.memref_slice %arg9[%dma_wait3A_475, %dma_wait3A_476, %dma_wait3A_477] : memref<2x88x128xf32, #tpu.memory_space<vmem>> -> memref<1x88x128xf32, #tpu.memory_space<vmem>>
        %dma_wait3A_479 = tpu.memref_squeeze %dma_wait3A_478 : memref<1x88x128xf32, #tpu.memory_space<vmem>> -> memref<88x128xf32, #tpu.memory_space<vmem>>
        %dma_wait3A_480 = arith.constant 0 : i32
        %dma_wait3A_481 = arith.constant 0 : i32
        %dma_wait3A_482 = tpu.memref_slice %arg6[%add3A_474, %dma_wait3A_480, %dma_wait3A_481] : memref<1024x200x128xf32, #tpu.memory_space<hbm>> -> memref<1x88x128xf32, #tpu.memory_space<hbm>>
        %dma_wait3A_483 = tpu.memref_squeeze %dma_wait3A_482 : memref<1x88x128xf32, #tpu.memory_space<hbm>> -> memref<88x128xf32, #tpu.memory_space<hbm>>
        %dma_wait3A_484 = arith.constant 0 : i32
        %dma_wait3A_485 = arith.constant 0 : i32
        %dma_wait3A_486 = tpu.memref_slice %arg6[%add3A_474, %dma_wait3A_484, %dma_wait3A_485] : memref<1024x200x128xf32, #tpu.memory_space<hbm>> -> memref<1x88x128xf32, #tpu.memory_space<hbm>>
        %dma_wait3A_487 = tpu.memref_squeeze %dma_wait3A_486 : memref<1x88x128xf32, #tpu.memory_space<hbm>> -> memref<88x128xf32, #tpu.memory_space<hbm>>
        %dma_wait3A_488 = arith.constant 0 : i32
        %dma_wait3A_489 = arith.constant 0 : i32
        %dma_wait3A_490 = tpu.memref_slice %arg9[%dma_wait3A_475, %dma_wait3A_488, %dma_wait3A_489] : memref<2x88x128xf32, #tpu.memory_space<vmem>> -> memref<1x88x128xf32, #tpu.memory_space<vmem>>
        %dma_wait3A_491 = tpu.memref_squeeze %dma_wait3A_490 : memref<1x88x128xf32, #tpu.memory_space<vmem>> -> memref<88x128xf32, #tpu.memory_space<vmem>>
        tpu.wait_dma2 semaphore(%arg16 : memref<!tpu.dma_semaphore, #tpu.memory_space<semaphore_mem>>) src(%dma_wait3A_491 : memref<88x128xf32, #tpu.memory_space<vmem>>) dst(%dma_wait3A_487 : memref<88x128xf32, #tpu.memory_space<hbm>>)
      } else {
      }
      %add3A_199 = arith.constant 4 : i32
      %add3A_200 = arith.addi %add3A_152, %add3A_199 : i32
      %sub3A_201 = arith.constant 1 : i32
      %sub3A_202 = arith.subi %add3A_200, %sub3A_201 : i32
      %lt3A_203 = arith.constant 64 : i32
      %lt3A_204 = arith.cmpi slt, %sub3A_202, %lt3A_203 : i32
      %convert_element_type3A_205 = arith.extui %lt3A_204 : i1 to i32
      %cond3A_206 = arith.constant 0 : i32
      %cond3A_207 = arith.cmpi ne, %convert_element_type3A_205, %cond3A_206 : i32
      scf.if %cond3A_207 {
        %add3A_448 = arith.constant 4 : i32
        %add3A_449 = arith.addi %add3A_152, %add3A_448 : i32
        %sub3A_450 = arith.constant 1 : i32
        %sub3A_451 = arith.subi %add3A_449, %sub3A_450 : i32
        %jit3A_452 = arith.constant 2 : i32
        %div3A_453 = arith.divsi %sub3A_451, %jit3A_452 : i32
        %sign3A_454 = arith.constant 0 : i32
        %sign3A_455 = arith.cmpi sgt, %sub3A_451, %sign3A_454 : i32
        %sign3A_456 = arith.extui %sign3A_455 : i1 to i32
        %sign3A_457 = arith.constant 0 : i32
        %sign3A_458 = arith.cmpi slt, %sub3A_451, %sign3A_457 : i32
        %sign3A_459 = arith.extui %sign3A_458 : i1 to i32
        %sign3A_460 = arith.subi %sign3A_456, %sign3A_459 : i32
        %sign3A_461 = arith.constant 0 : i32
        %sign3A_462 = arith.cmpi sgt, %jit3A_452, %sign3A_461 : i32
        %sign3A_463 = arith.extui %sign3A_462 : i1 to i32
        %sign3A_464 = arith.constant 0 : i32
        %sign3A_465 = arith.cmpi slt, %jit3A_452, %sign3A_464 : i32
        %sign3A_466 = arith.extui %sign3A_465 : i1 to i32
        %sign3A_467 = arith.subi %sign3A_463, %sign3A_466 : i32
        %ne3A_468 = arith.cmpi ne, %sign3A_460, %sign3A_467 : i32
        %rem3A_469 = arith.remsi %sub3A_451, %jit3A_452 : i32
        %ne3A_470 = arith.constant 0 : i32
        %ne3A_471 = arith.cmpi ne, %rem3A_469, %ne3A_470 : i32
        %and3A_472 = arith.andi %ne3A_468, %ne3A_471 : i1
        %sub3A_473 = arith.constant 1 : i32
        %sub3A_474 = arith.subi %div3A_453, %sub3A_473 : i32
        %select_n3A_475 = arith.select %and3A_472, %sub3A_474, %div3A_453 : i32
        %dma_start3A_476 = arith.constant 0 : i32
        %dma_start3A_477 = arith.constant 0 : i32
        %dma_start3A_478 = arith.constant 0 : i32
        %dma_start3A_479 = tpu.memref_slice %arg9[%dma_start3A_476, %dma_start3A_477, %dma_start3A_478] : memref<2x88x128xf32, #tpu.memory_space<vmem>> -> memref<1x88x128xf32, #tpu.memory_space<vmem>>
        %dma_start3A_480 = tpu.memref_squeeze %dma_start3A_479 : memref<1x88x128xf32, #tpu.memory_space<vmem>> -> memref<88x128xf32, #tpu.memory_space<vmem>>
        %dma_start3A_481 = arith.constant 0 : i32
        %dma_start3A_482 = tpu.memref_slice %arg7[%select_n3A_475, %dma_start3A_481] : memref<32x88xi32, #tpu.memory_space<vmem>> -> memref<1x88xi32, #tpu.memory_space<vmem>>
        %dma_start3A_483 = tpu.memref_squeeze %dma_start3A_482 : memref<1x88xi32, #tpu.memory_space<vmem>> -> memref<88xi32, #tpu.memory_space<vmem>>
        %dma_start3A_484 = arith.constant 0 : i32
        %dma_start3A_485 = arith.constant 0 : i32
        %dma_start3A_486 = tpu.memref_slice %arg4[%dma_start3A_484, %dma_start3A_485] : memref<100000x128xf32, #tpu.memory_space<hbm>> -> memref<100000x128xf32, #tpu.memory_space<hbm>>
        tpu.enqueue_indirect_dma source(%dma_start3A_486 : memref<100000x128xf32, #tpu.memory_space<hbm>>) target(%dma_start3A_480 : memref<88x128xf32, #tpu.memory_space<vmem>>) offsets(%dma_start3A_483 : memref<88xi32, #tpu.memory_space<vmem>>) semaphore(%arg12 : memref<!tpu.dma_semaphore, #tpu.memory_space<semaphore_mem>>)
      } else {
      }
      %jit3A_208 = arith.constant 2 : i32
      %div3A_209 = arith.divsi %add3A_152, %jit3A_208 : i32
      %sign3A_210 = arith.constant 0 : i32
      %sign3A_211 = arith.cmpi sgt, %add3A_152, %sign3A_210 : i32
      %sign3A_212 = arith.extui %sign3A_211 : i1 to i32
      %sign3A_213 = arith.constant 0 : i32
      %sign3A_214 = arith.cmpi slt, %add3A_152, %sign3A_213 : i32
      %sign3A_215 = arith.extui %sign3A_214 : i1 to i32
      %sign3A_216 = arith.subi %sign3A_212, %sign3A_215 : i32
      %sign3A_217 = arith.constant 0 : i32
      %sign3A_218 = arith.cmpi sgt, %jit3A_208, %sign3A_217 : i32
      %sign3A_219 = arith.extui %sign3A_218 : i1 to i32
      %sign3A_220 = arith.constant 0 : i32
      %sign3A_221 = arith.cmpi slt, %jit3A_208, %sign3A_220 : i32
      %sign3A_222 = arith.extui %sign3A_221 : i1 to i32
      %sign3A_223 = arith.subi %sign3A_219, %sign3A_222 : i32
      %ne3A_224 = arith.cmpi ne, %sign3A_216, %sign3A_223 : i32
      %rem3A_225 = arith.remsi %add3A_152, %jit3A_208 : i32
      %ne3A_226 = arith.constant 0 : i32
      %ne3A_227 = arith.cmpi ne, %rem3A_225, %ne3A_226 : i32
      %and3A_228 = arith.andi %ne3A_224, %ne3A_227 : i1
      %sub3A_229 = arith.constant 1 : i32
      %sub3A_230 = arith.subi %div3A_209, %sub3A_229 : i32
      %select_n3A_231 = arith.select %and3A_228, %sub3A_230, %div3A_209 : i32
      %add3A_232 = arith.addi %mul3A_2, %select_n3A_231 : i32
      %dma_start3A_233 = arith.constant 0 : i32
      %dma_start3A_234 = arith.constant 0 : i32
      %dma_start3A_235 = arith.constant 0 : i32
      %dma_start3A_236 = tpu.memref_slice %arg10[%dma_start3A_233, %dma_start3A_234, %dma_start3A_235] : memref<2x112x128xf32, #tpu.memory_space<vmem>> -> memref<1x112x128xf32, #tpu.memory_space<vmem>>
      %dma_start3A_237 = tpu.memref_squeeze %dma_start3A_236 : memref<1x112x128xf32, #tpu.memory_space<vmem>> -> memref<112x128xf32, #tpu.memory_space<vmem>>
      %dma_start3A_238 = arith.constant 88 : i32
      %dma_start3A_239 = arith.constant 0 : i32
      %dma_start3A_240 = tpu.memref_slice %arg6[%add3A_232, %dma_start3A_238, %dma_start3A_239] : memref<1024x200x128xf32, #tpu.memory_space<hbm>> -> memref<1x112x128xf32, #tpu.memory_space<hbm>>
      %dma_start3A_241 = tpu.memref_squeeze %dma_start3A_240 : memref<1x112x128xf32, #tpu.memory_space<hbm>> -> memref<112x128xf32, #tpu.memory_space<hbm>>
      %dma_start3A_242 = arith.constant 88 : i32
      %dma_start3A_243 = arith.constant 0 : i32
      %dma_start3A_244 = tpu.memref_slice %arg6[%add3A_232, %dma_start3A_242, %dma_start3A_243] : memref<1024x200x128xf32, #tpu.memory_space<hbm>> -> memref<1x112x128xf32, #tpu.memory_space<hbm>>
      %dma_start3A_245 = tpu.memref_squeeze %dma_start3A_244 : memref<1x112x128xf32, #tpu.memory_space<hbm>> -> memref<112x128xf32, #tpu.memory_space<hbm>>
      %dma_start3A_246 = arith.constant 0 : i32
      %dma_start3A_247 = arith.constant 0 : i32
      %dma_start3A_248 = tpu.memref_slice %arg10[%dma_start3A_233, %dma_start3A_246, %dma_start3A_247] : memref<2x112x128xf32, #tpu.memory_space<vmem>> -> memref<1x112x128xf32, #tpu.memory_space<vmem>>
      %dma_start3A_249 = tpu.memref_squeeze %dma_start3A_248 : memref<1x112x128xf32, #tpu.memory_space<vmem>> -> memref<112x128xf32, #tpu.memory_space<vmem>>
      tpu.enqueue_dma source(%dma_start3A_249 : memref<112x128xf32, #tpu.memory_space<vmem>>) target(%dma_start3A_245 : memref<112x128xf32, #tpu.memory_space<hbm>>) target_semaphore(%arg17 : memref<!tpu.dma_semaphore, #tpu.memory_space<semaphore_mem>>)
      %add3A_250 = arith.constant 2 : i32
      %add3A_251 = arith.addi %mul3A_63, %add3A_250 : i32
      %jit3A_252 = arith.constant 2 : i32
      %div3A_253 = arith.divsi %add3A_251, %jit3A_252 : i32
      %sign3A_254 = arith.constant 0 : i32
      %sign3A_255 = arith.cmpi sgt, %add3A_251, %sign3A_254 : i32
      %sign3A_256 = arith.extui %sign3A_255 : i1 to i32
      %sign3A_257 = arith.constant 0 : i32
      %sign3A_258 = arith.cmpi slt, %add3A_251, %sign3A_257 : i32
      %sign3A_259 = arith.extui %sign3A_258 : i1 to i32
      %sign3A_260 = arith.subi %sign3A_256, %sign3A_259 : i32
      %sign3A_261 = arith.constant 0 : i32
      %sign3A_262 = arith.cmpi sgt, %jit3A_252, %sign3A_261 : i32
      %sign3A_263 = arith.extui %sign3A_262 : i1 to i32
      %sign3A_264 = arith.constant 0 : i32
      %sign3A_265 = arith.cmpi slt, %jit3A_252, %sign3A_264 : i32
      %sign3A_266 = arith.extui %sign3A_265 : i1 to i32
      %sign3A_267 = arith.subi %sign3A_263, %sign3A_266 : i32
      %ne3A_268 = arith.cmpi ne, %sign3A_260, %sign3A_267 : i32
      %rem3A_269 = arith.remsi %add3A_251, %jit3A_252 : i32
      %ne3A_270 = arith.constant 0 : i32
      %ne3A_271 = arith.cmpi ne, %rem3A_269, %ne3A_270 : i32
      %and3A_272 = arith.andi %ne3A_268, %ne3A_271 : i1
      %sub3A_273 = arith.constant 1 : i32
      %sub3A_274 = arith.subi %div3A_253, %sub3A_273 : i32
      %select_n3A_275 = arith.select %and3A_272, %sub3A_274, %div3A_253 : i32
      %dma_wait3A_276 = arith.constant 1 : i32
      %dma_wait3A_277 = arith.constant 0 : i32
      %dma_wait3A_278 = arith.constant 0 : i32
      %dma_wait3A_279 = tpu.memref_slice %arg9[%dma_wait3A_276, %dma_wait3A_277, %dma_wait3A_278] : memref<2x88x128xf32, #tpu.memory_space<vmem>> -> memref<1x88x128xf32, #tpu.memory_space<vmem>>
      %dma_wait3A_280 = tpu.memref_squeeze %dma_wait3A_279 : memref<1x88x128xf32, #tpu.memory_space<vmem>> -> memref<88x128xf32, #tpu.memory_space<vmem>>
      %dma_wait3A_281 = arith.constant 0 : i32
      %dma_wait3A_282 = tpu.memref_slice %arg7[%select_n3A_275, %dma_wait3A_281] : memref<32x88xi32, #tpu.memory_space<vmem>> -> memref<1x88xi32, #tpu.memory_space<vmem>>
      %dma_wait3A_283 = tpu.memref_squeeze %dma_wait3A_282 : memref<1x88xi32, #tpu.memory_space<vmem>> -> memref<88xi32, #tpu.memory_space<vmem>>
      %dma_wait3A_284 = arith.constant 0 : i32
      %dma_wait3A_285 = arith.constant 0 : i32
      %dma_wait3A_286 = tpu.memref_slice %arg4[%dma_wait3A_284, %dma_wait3A_285] : memref<100000x128xf32, #tpu.memory_space<hbm>> -> memref<100000x128xf32, #tpu.memory_space<hbm>>
      tpu.wait_indirect_dma semaphore(%arg14 : memref<!tpu.dma_semaphore, #tpu.memory_space<semaphore_mem>>) src(%dma_wait3A_286 : memref<100000x128xf32, #tpu.memory_space<hbm>>) dst(%dma_wait3A_280 : memref<88x128xf32, #tpu.memory_space<vmem>>)
      %scan3A_287 = arith.constant 0 : i32
      %scan3A_288 = arith.constant 0 : i32
      %scan3A_289 = arith.constant 88 : i32
      %scan3A_290 = arith.addi %scan3A_288, %scan3A_289 : i32
      %scan3A_291 = arith.constant 1 : i32
      scf.for %scan3A_448 = %scan3A_288 to %scan3A_290 step %scan3A_291  : i32 {
        %add3A_449 = arith.constant 0 : i32
        %add3A_450 = arith.addi %add3A_449, %scan3A_448 : i32
        %get3A = arith.index_cast %add3A_450 : i32 to index
        %get3A_451 = arith.constant 0 : index
        %get3A_452 = tpu.vector_load %arg11[%get3A, %get3A_451] {strides = array<i32>} : memref<200x128xf32, #tpu.memory_space<vmem>>, vector<1x16xf32>,
        %get3A_453 = vector.shape_cast %get3A_452 : vector<1x16xf32> to vector<16xf32>
        %swap3A = arith.constant 1 : i32
        %swap3A_454 = arith.index_cast %swap3A : i32 to index
        %swap3A_455 = arith.index_cast %scan3A_448 : i32 to index
        %swap3A_456 = arith.constant 0 : index
        %swap3A_457 = tpu.vector_load %arg9[%swap3A_454, %swap3A_455, %swap3A_456] {strides = array<i32>} : memref<2x88x128xf32, #tpu.memory_space<vmem>>, vector<1x1x16xf32>,
        %swap3A_458 = vector.shape_cast %swap3A_457 : vector<1x1x16xf32> to vector<16xf32>
        %swap3A_459 = vector.shape_cast %get3A_453 : vector<16xf32> to vector<1x1x16xf32>
        tpu.vector_store %arg9[%swap3A_454, %swap3A_455, %swap3A_456], %swap3A_459 {add = true, strides = array<i32>} : memref<2x88x128xf32, #tpu.memory_space<vmem>>, vector<1x1x16xf32>,
        %add3A_460 = arith.constant 0 : i32
        %add3A_461 = arith.addi %add3A_460, %scan3A_448 : i32
        %get3A_462 = arith.index_cast %add3A_461 : i32 to index
        %get3A_463 = arith.constant 16 : index
        %get3A_464 = tpu.vector_load %arg11[%get3A_462, %get3A_463] {strides = array<i32>} : memref<200x128xf32, #tpu.memory_space<vmem>>, vector<1x16xf32>,
        %get3A_465 = vector.shape_cast %get3A_464 : vector<1x16xf32> to vector<16xf32>
        %swap3A_466 = arith.constant 1 : i32
        %swap3A_467 = arith.index_cast %swap3A_466 : i32 to index
        %swap3A_468 = arith.index_cast %scan3A_448 : i32 to index
        %swap3A_469 = arith.constant 16 : index
        %swap3A_470 = tpu.vector_load %arg9[%swap3A_467, %swap3A_468, %swap3A_469] {strides = array<i32>} : memref<2x88x128xf32, #tpu.memory_space<vmem>>, vector<1x1x16xf32>,
        %swap3A_471 = vector.shape_cast %swap3A_470 : vector<1x1x16xf32> to vector<16xf32>
        %swap3A_472 = vector.shape_cast %get3A_465 : vector<16xf32> to vector<1x1x16xf32>
        tpu.vector_store %arg9[%swap3A_467, %swap3A_468, %swap3A_469], %swap3A_472 {add = true, strides = array<i32>} : memref<2x88x128xf32, #tpu.memory_space<vmem>>, vector<1x1x16xf32>,
        %add3A_473 = arith.constant 0 : i32
        %add3A_474 = arith.addi %add3A_473, %scan3A_448 : i32
        %get3A_475 = arith.index_cast %add3A_474 : i32 to index
        %get3A_476 = arith.constant 32 : index
        %get3A_477 = tpu.vector_load %arg11[%get3A_475, %get3A_476] {strides = array<i32>} : memref<200x128xf32, #tpu.memory_space<vmem>>, vector<1x16xf32>,
        %get3A_478 = vector.shape_cast %get3A_477 : vector<1x16xf32> to vector<16xf32>
        %swap3A_479 = arith.constant 1 : i32
        %swap3A_480 = arith.index_cast %swap3A_479 : i32 to index
        %swap3A_481 = arith.index_cast %scan3A_448 : i32 to index
        %swap3A_482 = arith.constant 32 : index
        %swap3A_483 = tpu.vector_load %arg9[%swap3A_480, %swap3A_481, %swap3A_482] {strides = array<i32>} : memref<2x88x128xf32, #tpu.memory_space<vmem>>, vector<1x1x16xf32>,
        %swap3A_484 = vector.shape_cast %swap3A_483 : vector<1x1x16xf32> to vector<16xf32>
        %swap3A_485 = vector.shape_cast %get3A_478 : vector<16xf32> to vector<1x1x16xf32>
        tpu.vector_store %arg9[%swap3A_480, %swap3A_481, %swap3A_482], %swap3A_485 {add = true, strides = array<i32>} : memref<2x88x128xf32, #tpu.memory_space<vmem>>, vector<1x1x16xf32>,
        %add3A_486 = arith.constant 0 : i32
        %add3A_487 = arith.addi %add3A_486, %scan3A_448 : i32
        %get3A_488 = arith.index_cast %add3A_487 : i32 to index
        %get3A_489 = arith.constant 48 : index
        %get3A_490 = tpu.vector_load %arg11[%get3A_488, %get3A_489] {strides = array<i32>} : memref<200x128xf32, #tpu.memory_space<vmem>>, vector<1x16xf32>,
        %get3A_491 = vector.shape_cast %get3A_490 : vector<1x16xf32> to vector<16xf32>
        %swap3A_492 = arith.constant 1 : i32
        %swap3A_493 = arith.index_cast %swap3A_492 : i32 to index
        %swap3A_494 = arith.index_cast %scan3A_448 : i32 to index
        %swap3A_495 = arith.constant 48 : index
        %swap3A_496 = tpu.vector_load %arg9[%swap3A_493, %swap3A_494, %swap3A_495] {strides = array<i32>} : memref<2x88x128xf32, #tpu.memory_space<vmem>>, vector<1x1x16xf32>,
        %swap3A_497 = vector.shape_cast %swap3A_496 : vector<1x1x16xf32> to vector<16xf32>
        %swap3A_498 = vector.shape_cast %get3A_491 : vector<16xf32> to vector<1x1x16xf32>
        tpu.vector_store %arg9[%swap3A_493, %swap3A_494, %swap3A_495], %swap3A_498 {add = true, strides = array<i32>} : memref<2x88x128xf32, #tpu.memory_space<vmem>>, vector<1x1x16xf32>,
        %add3A_499 = arith.constant 0 : i32
        %add3A_500 = arith.addi %add3A_499, %scan3A_448 : i32
        %get3A_501 = arith.index_cast %add3A_500 : i32 to index
        %get3A_502 = arith.constant 64 : index
        %get3A_503 = tpu.vector_load %arg11[%get3A_501, %get3A_502] {strides = array<i32>} : memref<200x128xf32, #tpu.memory_space<vmem>>, vector<1x16xf32>,
        %get3A_504 = vector.shape_cast %get3A_503 : vector<1x16xf32> to vector<16xf32>
        %swap3A_505 = arith.constant 1 : i32
        %swap3A_506 = arith.index_cast %swap3A_505 : i32 to index
        %swap3A_507 = arith.index_cast %scan3A_448 : i32 to index
        %swap3A_508 = arith.constant 64 : index
        %swap3A_509 = tpu.vector_load %arg9[%swap3A_506, %swap3A_507, %swap3A_508] {strides = array<i32>} : memref<2x88x128xf32, #tpu.memory_space<vmem>>, vector<1x1x16xf32>,
        %swap3A_510 = vector.shape_cast %swap3A_509 : vector<1x1x16xf32> to vector<16xf32>
        %swap3A_511 = vector.shape_cast %get3A_504 : vector<16xf32> to vector<1x1x16xf32>
        tpu.vector_store %arg9[%swap3A_506, %swap3A_507, %swap3A_508], %swap3A_511 {add = true, strides = array<i32>} : memref<2x88x128xf32, #tpu.memory_space<vmem>>, vector<1x1x16xf32>,
        %add3A_512 = arith.constant 0 : i32
        %add3A_513 = arith.addi %add3A_512, %scan3A_448 : i32
        %get3A_514 = arith.index_cast %add3A_513 : i32 to index
        %get3A_515 = arith.constant 80 : index
        %get3A_516 = tpu.vector_load %arg11[%get3A_514, %get3A_515] {strides = array<i32>} : memref<200x128xf32, #tpu.memory_space<vmem>>, vector<1x16xf32>,
        %get3A_517 = vector.shape_cast %get3A_516 : vector<1x16xf32> to vector<16xf32>
        %swap3A_518 = arith.constant 1 : i32
        %swap3A_519 = arith.index_cast %swap3A_518 : i32 to index
        %swap3A_520 = arith.index_cast %scan3A_448 : i32 to index
        %swap3A_521 = arith.constant 80 : index
        %swap3A_522 = tpu.vector_load %arg9[%swap3A_519, %swap3A_520, %swap3A_521] {strides = array<i32>} : memref<2x88x128xf32, #tpu.memory_space<vmem>>, vector<1x1x16xf32>,
        %swap3A_523 = vector.shape_cast %swap3A_522 : vector<1x1x16xf32> to vector<16xf32>
        %swap3A_524 = vector.shape_cast %get3A_517 : vector<16xf32> to vector<1x1x16xf32>
        tpu.vector_store %arg9[%swap3A_519, %swap3A_520, %swap3A_521], %swap3A_524 {add = true, strides = array<i32>} : memref<2x88x128xf32, #tpu.memory_space<vmem>>, vector<1x1x16xf32>,
        %add3A_525 = arith.constant 0 : i32
        %add3A_526 = arith.addi %add3A_525, %scan3A_448 : i32
        %get3A_527 = arith.index_cast %add3A_526 : i32 to index
        %get3A_528 = arith.constant 96 : index
        %get3A_529 = tpu.vector_load %arg11[%get3A_527, %get3A_528] {strides = array<i32>} : memref<200x128xf32, #tpu.memory_space<vmem>>, vector<1x16xf32>,
        %get3A_530 = vector.shape_cast %get3A_529 : vector<1x16xf32> to vector<16xf32>
        %swap3A_531 = arith.constant 1 : i32
        %swap3A_532 = arith.index_cast %swap3A_531 : i32 to index
        %swap3A_533 = arith.index_cast %scan3A_448 : i32 to index
        %swap3A_534 = arith.constant 96 : index
        %swap3A_535 = tpu.vector_load %arg9[%swap3A_532, %swap3A_533, %swap3A_534] {strides = array<i32>} : memref<2x88x128xf32, #tpu.memory_space<vmem>>, vector<1x1x16xf32>,
        %swap3A_536 = vector.shape_cast %swap3A_535 : vector<1x1x16xf32> to vector<16xf32>
        %swap3A_537 = vector.shape_cast %get3A_530 : vector<16xf32> to vector<1x1x16xf32>
        tpu.vector_store %arg9[%swap3A_532, %swap3A_533, %swap3A_534], %swap3A_537 {add = true, strides = array<i32>} : memref<2x88x128xf32, #tpu.memory_space<vmem>>, vector<1x1x16xf32>,
        %add3A_538 = arith.constant 0 : i32
        %add3A_539 = arith.addi %add3A_538, %scan3A_448 : i32
        %get3A_540 = arith.index_cast %add3A_539 : i32 to index
        %get3A_541 = arith.constant 112 : index
        %get3A_542 = tpu.vector_load %arg11[%get3A_540, %get3A_541] {strides = array<i32>} : memref<200x128xf32, #tpu.memory_space<vmem>>, vector<1x16xf32>,
        %get3A_543 = vector.shape_cast %get3A_542 : vector<1x16xf32> to vector<16xf32>
        %swap3A_544 = arith.constant 1 : i32
        %swap3A_545 = arith.index_cast %swap3A_544 : i32 to index
        %swap3A_546 = arith.index_cast %scan3A_448 : i32 to index
        %swap3A_547 = arith.constant 112 : index
        %swap3A_548 = tpu.vector_load %arg9[%swap3A_545, %swap3A_546, %swap3A_547] {strides = array<i32>} : memref<2x88x128xf32, #tpu.memory_space<vmem>>, vector<1x1x16xf32>,
        %swap3A_549 = vector.shape_cast %swap3A_548 : vector<1x1x16xf32> to vector<16xf32>
        %swap3A_550 = vector.shape_cast %get3A_543 : vector<16xf32> to vector<1x1x16xf32>
        tpu.vector_store %arg9[%swap3A_545, %swap3A_546, %swap3A_547], %swap3A_550 {add = true, strides = array<i32>} : memref<2x88x128xf32, #tpu.memory_space<vmem>>, vector<1x1x16xf32>,
      }
      %scan3A_292 = arith.constant 88 : i32
      %ge3A_293 = arith.constant 1 : i32
      %ge3A_294 = arith.cmpi sge, %add3A_251, %ge3A_293 : i32
      %convert_element_type3A_295 = arith.extui %ge3A_294 : i1 to i32
      %cond3A_296 = arith.constant 0 : i32
      %cond3A_297 = arith.cmpi ne, %convert_element_type3A_295, %cond3A_296 : i32
      scf.if %cond3A_297 {
        %sub3A_448 = arith.constant 1 : i32
        %sub3A_449 = arith.subi %add3A_251, %sub3A_448 : i32
        %jit3A_450 = arith.constant 2 : i32
        %div3A_451 = arith.divsi %sub3A_449, %jit3A_450 : i32
        %sign3A_452 = arith.constant 0 : i32
        %sign3A_453 = arith.cmpi sgt, %sub3A_449, %sign3A_452 : i32
        %sign3A_454 = arith.extui %sign3A_453 : i1 to i32
        %sign3A_455 = arith.constant 0 : i32
        %sign3A_456 = arith.cmpi slt, %sub3A_449, %sign3A_455 : i32
        %sign3A_457 = arith.extui %sign3A_456 : i1 to i32
        %sign3A_458 = arith.subi %sign3A_454, %sign3A_457 : i32
        %sign3A_459 = arith.constant 0 : i32
        %sign3A_460 = arith.cmpi sgt, %jit3A_450, %sign3A_459 : i32
        %sign3A_461 = arith.extui %sign3A_460 : i1 to i32
        %sign3A_462 = arith.constant 0 : i32
        %sign3A_463 = arith.cmpi slt, %jit3A_450, %sign3A_462 : i32
        %sign3A_464 = arith.extui %sign3A_463 : i1 to i32
        %sign3A_465 = arith.subi %sign3A_461, %sign3A_464 : i32
        %ne3A_466 = arith.cmpi ne, %sign3A_458, %sign3A_465 : i32
        %rem3A_467 = arith.remsi %sub3A_449, %jit3A_450 : i32
        %ne3A_468 = arith.constant 0 : i32
        %ne3A_469 = arith.cmpi ne, %rem3A_467, %ne3A_468 : i32
        %and3A_470 = arith.andi %ne3A_466, %ne3A_469 : i1
        %sub3A_471 = arith.constant 1 : i32
        %sub3A_472 = arith.subi %div3A_451, %sub3A_471 : i32
        %select_n3A_473 = arith.select %and3A_470, %sub3A_472, %div3A_451 : i32
        %add3A_474 = arith.addi %mul3A_2, %select_n3A_473 : i32
        %dma_wait3A_475 = arith.constant 0 : i32
        %dma_wait3A_476 = arith.constant 0 : i32
        %dma_wait3A_477 = arith.constant 0 : i32
        %dma_wait3A_478 = tpu.memref_slice %arg10[%dma_wait3A_475, %dma_wait3A_476, %dma_wait3A_477] : memref<2x112x128xf32, #tpu.memory_space<vmem>> -> memref<1x112x128xf32, #tpu.memory_space<vmem>>
        %dma_wait3A_479 = tpu.memref_squeeze %dma_wait3A_478 : memref<1x112x128xf32, #tpu.memory_space<vmem>> -> memref<112x128xf32, #tpu.memory_space<vmem>>
        %dma_wait3A_480 = arith.constant 88 : i32
        %dma_wait3A_481 = arith.constant 0 : i32
        %dma_wait3A_482 = tpu.memref_slice %arg6[%add3A_474, %dma_wait3A_480, %dma_wait3A_481] : memref<1024x200x128xf32, #tpu.memory_space<hbm>> -> memref<1x112x128xf32, #tpu.memory_space<hbm>>
        %dma_wait3A_483 = tpu.memref_squeeze %dma_wait3A_482 : memref<1x112x128xf32, #tpu.memory_space<hbm>> -> memref<112x128xf32, #tpu.memory_space<hbm>>
        %dma_wait3A_484 = arith.constant 88 : i32
        %dma_wait3A_485 = arith.constant 0 : i32
        %dma_wait3A_486 = tpu.memref_slice %arg6[%add3A_474, %dma_wait3A_484, %dma_wait3A_485] : memref<1024x200x128xf32, #tpu.memory_space<hbm>> -> memref<1x112x128xf32, #tpu.memory_space<hbm>>
        %dma_wait3A_487 = tpu.memref_squeeze %dma_wait3A_486 : memref<1x112x128xf32, #tpu.memory_space<hbm>> -> memref<112x128xf32, #tpu.memory_space<hbm>>
        %dma_wait3A_488 = arith.constant 0 : i32
        %dma_wait3A_489 = arith.constant 0 : i32
        %dma_wait3A_490 = tpu.memref_slice %arg10[%dma_wait3A_475, %dma_wait3A_488, %dma_wait3A_489] : memref<2x112x128xf32, #tpu.memory_space<vmem>> -> memref<1x112x128xf32, #tpu.memory_space<vmem>>
        %dma_wait3A_491 = tpu.memref_squeeze %dma_wait3A_490 : memref<1x112x128xf32, #tpu.memory_space<vmem>> -> memref<112x128xf32, #tpu.memory_space<vmem>>
        tpu.wait_dma2 semaphore(%arg17 : memref<!tpu.dma_semaphore, #tpu.memory_space<semaphore_mem>>) src(%dma_wait3A_491 : memref<112x128xf32, #tpu.memory_space<vmem>>) dst(%dma_wait3A_487 : memref<112x128xf32, #tpu.memory_space<hbm>>)
      } else {
      }
      %add3A_298 = arith.constant 4 : i32
      %add3A_299 = arith.addi %add3A_251, %add3A_298 : i32
      %sub3A_300 = arith.constant 1 : i32
      %sub3A_301 = arith.subi %add3A_299, %sub3A_300 : i32
      %lt3A_302 = arith.constant 64 : i32
      %lt3A_303 = arith.cmpi slt, %sub3A_301, %lt3A_302 : i32
      %convert_element_type3A_304 = arith.extui %lt3A_303 : i1 to i32
      %cond3A_305 = arith.constant 0 : i32
      %cond3A_306 = arith.cmpi ne, %convert_element_type3A_304, %cond3A_305 : i32
      scf.if %cond3A_306 {
        %add3A_448 = arith.constant 4 : i32
        %add3A_449 = arith.addi %add3A_251, %add3A_448 : i32
        %sub3A_450 = arith.constant 1 : i32
        %sub3A_451 = arith.subi %add3A_449, %sub3A_450 : i32
        %jit3A_452 = arith.constant 2 : i32
        %div3A_453 = arith.divsi %sub3A_451, %jit3A_452 : i32
        %sign3A_454 = arith.constant 0 : i32
        %sign3A_455 = arith.cmpi sgt, %sub3A_451, %sign3A_454 : i32
        %sign3A_456 = arith.extui %sign3A_455 : i1 to i32
        %sign3A_457 = arith.constant 0 : i32
        %sign3A_458 = arith.cmpi slt, %sub3A_451, %sign3A_457 : i32
        %sign3A_459 = arith.extui %sign3A_458 : i1 to i32
        %sign3A_460 = arith.subi %sign3A_456, %sign3A_459 : i32
        %sign3A_461 = arith.constant 0 : i32
        %sign3A_462 = arith.cmpi sgt, %jit3A_452, %sign3A_461 : i32
        %sign3A_463 = arith.extui %sign3A_462 : i1 to i32
        %sign3A_464 = arith.constant 0 : i32
        %sign3A_465 = arith.cmpi slt, %jit3A_452, %sign3A_464 : i32
        %sign3A_466 = arith.extui %sign3A_465 : i1 to i32
        %sign3A_467 = arith.subi %sign3A_463, %sign3A_466 : i32
        %ne3A_468 = arith.cmpi ne, %sign3A_460, %sign3A_467 : i32
        %rem3A_469 = arith.remsi %sub3A_451, %jit3A_452 : i32
        %ne3A_470 = arith.constant 0 : i32
        %ne3A_471 = arith.cmpi ne, %rem3A_469, %ne3A_470 : i32
        %and3A_472 = arith.andi %ne3A_468, %ne3A_471 : i1
        %sub3A_473 = arith.constant 1 : i32
        %sub3A_474 = arith.subi %div3A_453, %sub3A_473 : i32
        %select_n3A_475 = arith.select %and3A_472, %sub3A_474, %div3A_453 : i32
        %dma_start3A_476 = arith.constant 0 : i32
        %dma_start3A_477 = arith.constant 0 : i32
        %dma_start3A_478 = arith.constant 0 : i32
        %dma_start3A_479 = tpu.memref_slice %arg10[%dma_start3A_476, %dma_start3A_477, %dma_start3A_478] : memref<2x112x128xf32, #tpu.memory_space<vmem>> -> memref<1x112x128xf32, #tpu.memory_space<vmem>>
        %dma_start3A_480 = tpu.memref_squeeze %dma_start3A_479 : memref<1x112x128xf32, #tpu.memory_space<vmem>> -> memref<112x128xf32, #tpu.memory_space<vmem>>
        %dma_start3A_481 = arith.constant 0 : i32
        %dma_start3A_482 = tpu.memref_slice %arg8[%select_n3A_475, %dma_start3A_481] : memref<32x112xi32, #tpu.memory_space<vmem>> -> memref<1x112xi32, #tpu.memory_space<vmem>>
        %dma_start3A_483 = tpu.memref_squeeze %dma_start3A_482 : memref<1x112xi32, #tpu.memory_space<vmem>> -> memref<112xi32, #tpu.memory_space<vmem>>
        %dma_start3A_484 = arith.constant 0 : i32
        %dma_start3A_485 = arith.constant 0 : i32
        %dma_start3A_486 = tpu.memref_slice %arg4[%dma_start3A_484, %dma_start3A_485] : memref<100000x128xf32, #tpu.memory_space<hbm>> -> memref<100000x128xf32, #tpu.memory_space<hbm>>
        tpu.enqueue_indirect_dma source(%dma_start3A_486 : memref<100000x128xf32, #tpu.memory_space<hbm>>) target(%dma_start3A_480 : memref<112x128xf32, #tpu.memory_space<vmem>>) offsets(%dma_start3A_483 : memref<112xi32, #tpu.memory_space<vmem>>) semaphore(%arg13 : memref<!tpu.dma_semaphore, #tpu.memory_space<semaphore_mem>>)
      } else {
      }
      %jit3A_307 = arith.constant 2 : i32
      %div3A_308 = arith.divsi %add3A_251, %jit3A_307 : i32
      %sign3A_309 = arith.constant 0 : i32
      %sign3A_310 = arith.cmpi sgt, %add3A_251, %sign3A_309 : i32
      %sign3A_311 = arith.extui %sign3A_310 : i1 to i32
      %sign3A_312 = arith.constant 0 : i32
      %sign3A_313 = arith.cmpi slt, %add3A_251, %sign3A_312 : i32
      %sign3A_314 = arith.extui %sign3A_313 : i1 to i32
      %sign3A_315 = arith.subi %sign3A_311, %sign3A_314 : i32
      %sign3A_316 = arith.constant 0 : i32
      %sign3A_317 = arith.cmpi sgt, %jit3A_307, %sign3A_316 : i32
      %sign3A_318 = arith.extui %sign3A_317 : i1 to i32
      %sign3A_319 = arith.constant 0 : i32
      %sign3A_320 = arith.cmpi slt, %jit3A_307, %sign3A_319 : i32
      %sign3A_321 = arith.extui %sign3A_320 : i1 to i32
      %sign3A_322 = arith.subi %sign3A_318, %sign3A_321 : i32
      %ne3A_323 = arith.cmpi ne, %sign3A_315, %sign3A_322 : i32
      %rem3A_324 = arith.remsi %add3A_251, %jit3A_307 : i32
      %ne3A_325 = arith.constant 0 : i32
      %ne3A_326 = arith.cmpi ne, %rem3A_324, %ne3A_325 : i32
      %and3A_327 = arith.andi %ne3A_323, %ne3A_326 : i1
      %sub3A_328 = arith.constant 1 : i32
      %sub3A_329 = arith.subi %div3A_308, %sub3A_328 : i32
      %select_n3A_330 = arith.select %and3A_327, %sub3A_329, %div3A_308 : i32
      %add3A_331 = arith.addi %mul3A_2, %select_n3A_330 : i32
      %dma_start3A_332 = arith.constant 1 : i32
      %dma_start3A_333 = arith.constant 0 : i32
      %dma_start3A_334 = arith.constant 0 : i32
      %dma_start3A_335 = tpu.memref_slice %arg9[%dma_start3A_332, %dma_start3A_333, %dma_start3A_334] : memref<2x88x128xf32, #tpu.memory_space<vmem>> -> memref<1x88x128xf32, #tpu.memory_space<vmem>>
      %dma_start3A_336 = tpu.memref_squeeze %dma_start3A_335 : memref<1x88x128xf32, #tpu.memory_space<vmem>> -> memref<88x128xf32, #tpu.memory_space<vmem>>
      %dma_start3A_337 = arith.constant 0 : i32
      %dma_start3A_338 = arith.constant 0 : i32
      %dma_start3A_339 = tpu.memref_slice %arg6[%add3A_331, %dma_start3A_337, %dma_start3A_338] : memref<1024x200x128xf32, #tpu.memory_space<hbm>> -> memref<1x88x128xf32, #tpu.memory_space<hbm>>
      %dma_start3A_340 = tpu.memref_squeeze %dma_start3A_339 : memref<1x88x128xf32, #tpu.memory_space<hbm>> -> memref<88x128xf32, #tpu.memory_space<hbm>>
      %dma_start3A_341 = arith.constant 0 : i32
      %dma_start3A_342 = arith.constant 0 : i32
      %dma_start3A_343 = tpu.memref_slice %arg6[%add3A_331, %dma_start3A_341, %dma_start3A_342] : memref<1024x200x128xf32, #tpu.memory_space<hbm>> -> memref<1x88x128xf32, #tpu.memory_space<hbm>>
      %dma_start3A_344 = tpu.memref_squeeze %dma_start3A_343 : memref<1x88x128xf32, #tpu.memory_space<hbm>> -> memref<88x128xf32, #tpu.memory_space<hbm>>
      %dma_start3A_345 = arith.constant 0 : i32
      %dma_start3A_346 = arith.constant 0 : i32
      %dma_start3A_347 = tpu.memref_slice %arg9[%dma_start3A_332, %dma_start3A_345, %dma_start3A_346] : memref<2x88x128xf32, #tpu.memory_space<vmem>> -> memref<1x88x128xf32, #tpu.memory_space<vmem>>
      %dma_start3A_348 = tpu.memref_squeeze %dma_start3A_347 : memref<1x88x128xf32, #tpu.memory_space<vmem>> -> memref<88x128xf32, #tpu.memory_space<vmem>>
      tpu.enqueue_dma source(%dma_start3A_348 : memref<88x128xf32, #tpu.memory_space<vmem>>) target(%dma_start3A_344 : memref<88x128xf32, #tpu.memory_space<hbm>>) target_semaphore(%arg18 : memref<!tpu.dma_semaphore, #tpu.memory_space<semaphore_mem>>)
      %add3A_349 = arith.constant 3 : i32
      %add3A_350 = arith.addi %mul3A_63, %add3A_349 : i32
      %jit3A_351 = arith.constant 2 : i32
      %div3A_352 = arith.divsi %add3A_350, %jit3A_351 : i32
      %sign3A_353 = arith.constant 0 : i32
      %sign3A_354 = arith.cmpi sgt, %add3A_350, %sign3A_353 : i32
      %sign3A_355 = arith.extui %sign3A_354 : i1 to i32
      %sign3A_356 = arith.constant 0 : i32
      %sign3A_357 = arith.cmpi slt, %add3A_350, %sign3A_356 : i32
      %sign3A_358 = arith.extui %sign3A_357 : i1 to i32
      %sign3A_359 = arith.subi %sign3A_355, %sign3A_358 : i32
      %sign3A_360 = arith.constant 0 : i32
      %sign3A_361 = arith.cmpi sgt, %jit3A_351, %sign3A_360 : i32
      %sign3A_362 = arith.extui %sign3A_361 : i1 to i32
      %sign3A_363 = arith.constant 0 : i32
      %sign3A_364 = arith.cmpi slt, %jit3A_351, %sign3A_363 : i32
      %sign3A_365 = arith.extui %sign3A_364 : i1 to i32
      %sign3A_366 = arith.subi %sign3A_362, %sign3A_365 : i32
      %ne3A_367 = arith.cmpi ne, %sign3A_359, %sign3A_366 : i32
      %rem3A_368 = arith.remsi %add3A_350, %jit3A_351 : i32
      %ne3A_369 = arith.constant 0 : i32
      %ne3A_370 = arith.cmpi ne, %rem3A_368, %ne3A_369 : i32
      %and3A_371 = arith.andi %ne3A_367, %ne3A_370 : i1
      %sub3A_372 = arith.constant 1 : i32
      %sub3A_373 = arith.subi %div3A_352, %sub3A_372 : i32
      %select_n3A_374 = arith.select %and3A_371, %sub3A_373, %div3A_352 : i32
      %dma_wait3A_375 = arith.constant 1 : i32
      %dma_wait3A_376 = arith.constant 0 : i32
      %dma_wait3A_377 = arith.constant 0 : i32
      %dma_wait3A_378 = tpu.memref_slice %arg10[%dma_wait3A_375, %dma_wait3A_376, %dma_wait3A_377] : memref<2x112x128xf32, #tpu.memory_space<vmem>> -> memref<1x112x128xf32, #tpu.memory_space<vmem>>
      %dma_wait3A_379 = tpu.memref_squeeze %dma_wait3A_378 : memref<1x112x128xf32, #tpu.memory_space<vmem>> -> memref<112x128xf32, #tpu.memory_space<vmem>>
      %dma_wait3A_380 = arith.constant 0 : i32
      %dma_wait3A_381 = tpu.memref_slice %arg8[%select_n3A_374, %dma_wait3A_380] : memref<32x112xi32, #tpu.memory_space<vmem>> -> memref<1x112xi32, #tpu.memory_space<vmem>>
      %dma_wait3A_382 = tpu.memref_squeeze %dma_wait3A_381 : memref<1x112xi32, #tpu.memory_space<vmem>> -> memref<112xi32, #tpu.memory_space<vmem>>
      %dma_wait3A_383 = arith.constant 0 : i32
      %dma_wait3A_384 = arith.constant 0 : i32
      %dma_wait3A_385 = tpu.memref_slice %arg4[%dma_wait3A_383, %dma_wait3A_384] : memref<100000x128xf32, #tpu.memory_space<hbm>> -> memref<100000x128xf32, #tpu.memory_space<hbm>>
      tpu.wait_indirect_dma semaphore(%arg15 : memref<!tpu.dma_semaphore, #tpu.memory_space<semaphore_mem>>) src(%dma_wait3A_385 : memref<100000x128xf32, #tpu.memory_space<hbm>>) dst(%dma_wait3A_379 : memref<112x128xf32, #tpu.memory_space<vmem>>)
      %scan3A_386 = arith.constant 0 : i32
      %scan3A_387 = arith.constant 0 : i32
      %scan3A_388 = arith.constant 112 : i32
      %scan3A_389 = arith.addi %scan3A_387, %scan3A_388 : i32
      %scan3A_390 = arith.constant 1 : i32
      scf.for %scan3A_448 = %scan3A_387 to %scan3A_389 step %scan3A_390  : i32 {
        %add3A_449 = arith.constant 88 : i32
        %add3A_450 = arith.addi %add3A_449, %scan3A_448 : i32
        %get3A = arith.index_cast %add3A_450 : i32 to index
        %get3A_451 = arith.constant 0 : index
        %get3A_452 = tpu.vector_load %arg11[%get3A, %get3A_451] {strides = array<i32>} : memref<200x128xf32, #tpu.memory_space<vmem>>, vector<1x16xf32>,
        %get3A_453 = vector.shape_cast %get3A_452 : vector<1x16xf32> to vector<16xf32>
        %swap3A = arith.constant 1 : i32
        %swap3A_454 = arith.index_cast %swap3A : i32 to index
        %swap3A_455 = arith.index_cast %scan3A_448 : i32 to index
        %swap3A_456 = arith.constant 0 : index
        %swap3A_457 = tpu.vector_load %arg10[%swap3A_454, %swap3A_455, %swap3A_456] {strides = array<i32>} : memref<2x112x128xf32, #tpu.memory_space<vmem>>, vector<1x1x16xf32>,
        %swap3A_458 = vector.shape_cast %swap3A_457 : vector<1x1x16xf32> to vector<16xf32>
        %swap3A_459 = vector.shape_cast %get3A_453 : vector<16xf32> to vector<1x1x16xf32>
        tpu.vector_store %arg10[%swap3A_454, %swap3A_455, %swap3A_456], %swap3A_459 {add = true, strides = array<i32>} : memref<2x112x128xf32, #tpu.memory_space<vmem>>, vector<1x1x16xf32>,
        %add3A_460 = arith.constant 88 : i32
        %add3A_461 = arith.addi %add3A_460, %scan3A_448 : i32
        %get3A_462 = arith.index_cast %add3A_461 : i32 to index
        %get3A_463 = arith.constant 16 : index
        %get3A_464 = tpu.vector_load %arg11[%get3A_462, %get3A_463] {strides = array<i32>} : memref<200x128xf32, #tpu.memory_space<vmem>>, vector<1x16xf32>,
        %get3A_465 = vector.shape_cast %get3A_464 : vector<1x16xf32> to vector<16xf32>
        %swap3A_466 = arith.constant 1 : i32
        %swap3A_467 = arith.index_cast %swap3A_466 : i32 to index
        %swap3A_468 = arith.index_cast %scan3A_448 : i32 to index
        %swap3A_469 = arith.constant 16 : index
        %swap3A_470 = tpu.vector_load %arg10[%swap3A_467, %swap3A_468, %swap3A_469] {strides = array<i32>} : memref<2x112x128xf32, #tpu.memory_space<vmem>>, vector<1x1x16xf32>,
        %swap3A_471 = vector.shape_cast %swap3A_470 : vector<1x1x16xf32> to vector<16xf32>
        %swap3A_472 = vector.shape_cast %get3A_465 : vector<16xf32> to vector<1x1x16xf32>
        tpu.vector_store %arg10[%swap3A_467, %swap3A_468, %swap3A_469], %swap3A_472 {add = true, strides = array<i32>} : memref<2x112x128xf32, #tpu.memory_space<vmem>>, vector<1x1x16xf32>,
        %add3A_473 = arith.constant 88 : i32
        %add3A_474 = arith.addi %add3A_473, %scan3A_448 : i32
        %get3A_475 = arith.index_cast %add3A_474 : i32 to index
        %get3A_476 = arith.constant 32 : index
        %get3A_477 = tpu.vector_load %arg11[%get3A_475, %get3A_476] {strides = array<i32>} : memref<200x128xf32, #tpu.memory_space<vmem>>, vector<1x16xf32>,
        %get3A_478 = vector.shape_cast %get3A_477 : vector<1x16xf32> to vector<16xf32>
        %swap3A_479 = arith.constant 1 : i32
        %swap3A_480 = arith.index_cast %swap3A_479 : i32 to index
        %swap3A_481 = arith.index_cast %scan3A_448 : i32 to index
        %swap3A_482 = arith.constant 32 : index
        %swap3A_483 = tpu.vector_load %arg10[%swap3A_480, %swap3A_481, %swap3A_482] {strides = array<i32>} : memref<2x112x128xf32, #tpu.memory_space<vmem>>, vector<1x1x16xf32>,
        %swap3A_484 = vector.shape_cast %swap3A_483 : vector<1x1x16xf32> to vector<16xf32>
        %swap3A_485 = vector.shape_cast %get3A_478 : vector<16xf32> to vector<1x1x16xf32>
        tpu.vector_store %arg10[%swap3A_480, %swap3A_481, %swap3A_482], %swap3A_485 {add = true, strides = array<i32>} : memref<2x112x128xf32, #tpu.memory_space<vmem>>, vector<1x1x16xf32>,
        %add3A_486 = arith.constant 88 : i32
        %add3A_487 = arith.addi %add3A_486, %scan3A_448 : i32
        %get3A_488 = arith.index_cast %add3A_487 : i32 to index
        %get3A_489 = arith.constant 48 : index
        %get3A_490 = tpu.vector_load %arg11[%get3A_488, %get3A_489] {strides = array<i32>} : memref<200x128xf32, #tpu.memory_space<vmem>>, vector<1x16xf32>,
        %get3A_491 = vector.shape_cast %get3A_490 : vector<1x16xf32> to vector<16xf32>
        %swap3A_492 = arith.constant 1 : i32
        %swap3A_493 = arith.index_cast %swap3A_492 : i32 to index
        %swap3A_494 = arith.index_cast %scan3A_448 : i32 to index
        %swap3A_495 = arith.constant 48 : index
        %swap3A_496 = tpu.vector_load %arg10[%swap3A_493, %swap3A_494, %swap3A_495] {strides = array<i32>} : memref<2x112x128xf32, #tpu.memory_space<vmem>>, vector<1x1x16xf32>,
        %swap3A_497 = vector.shape_cast %swap3A_496 : vector<1x1x16xf32> to vector<16xf32>
        %swap3A_498 = vector.shape_cast %get3A_491 : vector<16xf32> to vector<1x1x16xf32>
        tpu.vector_store %arg10[%swap3A_493, %swap3A_494, %swap3A_495], %swap3A_498 {add = true, strides = array<i32>} : memref<2x112x128xf32, #tpu.memory_space<vmem>>, vector<1x1x16xf32>,
        %add3A_499 = arith.constant 88 : i32
        %add3A_500 = arith.addi %add3A_499, %scan3A_448 : i32
        %get3A_501 = arith.index_cast %add3A_500 : i32 to index
        %get3A_502 = arith.constant 64 : index
        %get3A_503 = tpu.vector_load %arg11[%get3A_501, %get3A_502] {strides = array<i32>} : memref<200x128xf32, #tpu.memory_space<vmem>>, vector<1x16xf32>,
        %get3A_504 = vector.shape_cast %get3A_503 : vector<1x16xf32> to vector<16xf32>
        %swap3A_505 = arith.constant 1 : i32
        %swap3A_506 = arith.index_cast %swap3A_505 : i32 to index
        %swap3A_507 = arith.index_cast %scan3A_448 : i32 to index
        %swap3A_508 = arith.constant 64 : index
        %swap3A_509 = tpu.vector_load %arg10[%swap3A_506, %swap3A_507, %swap3A_508] {strides = array<i32>} : memref<2x112x128xf32, #tpu.memory_space<vmem>>, vector<1x1x16xf32>,
        %swap3A_510 = vector.shape_cast %swap3A_509 : vector<1x1x16xf32> to vector<16xf32>
        %swap3A_511 = vector.shape_cast %get3A_504 : vector<16xf32> to vector<1x1x16xf32>
        tpu.vector_store %arg10[%swap3A_506, %swap3A_507, %swap3A_508], %swap3A_511 {add = true, strides = array<i32>} : memref<2x112x128xf32, #tpu.memory_space<vmem>>, vector<1x1x16xf32>,
        %add3A_512 = arith.constant 88 : i32
        %add3A_513 = arith.addi %add3A_512, %scan3A_448 : i32
        %get3A_514 = arith.index_cast %add3A_513 : i32 to index
        %get3A_515 = arith.constant 80 : index
        %get3A_516 = tpu.vector_load %arg11[%get3A_514, %get3A_515] {strides = array<i32>} : memref<200x128xf32, #tpu.memory_space<vmem>>, vector<1x16xf32>,
        %get3A_517 = vector.shape_cast %get3A_516 : vector<1x16xf32> to vector<16xf32>
        %swap3A_518 = arith.constant 1 : i32
        %swap3A_519 = arith.index_cast %swap3A_518 : i32 to index
        %swap3A_520 = arith.index_cast %scan3A_448 : i32 to index
        %swap3A_521 = arith.constant 80 : index
        %swap3A_522 = tpu.vector_load %arg10[%swap3A_519, %swap3A_520, %swap3A_521] {strides = array<i32>} : memref<2x112x128xf32, #tpu.memory_space<vmem>>, vector<1x1x16xf32>,
        %swap3A_523 = vector.shape_cast %swap3A_522 : vector<1x1x16xf32> to vector<16xf32>
        %swap3A_524 = vector.shape_cast %get3A_517 : vector<16xf32> to vector<1x1x16xf32>
        tpu.vector_store %arg10[%swap3A_519, %swap3A_520, %swap3A_521], %swap3A_524 {add = true, strides = array<i32>} : memref<2x112x128xf32, #tpu.memory_space<vmem>>, vector<1x1x16xf32>,
        %add3A_525 = arith.constant 88 : i32
        %add3A_526 = arith.addi %add3A_525, %scan3A_448 : i32
        %get3A_527 = arith.index_cast %add3A_526 : i32 to index
        %get3A_528 = arith.constant 96 : index
        %get3A_529 = tpu.vector_load %arg11[%get3A_527, %get3A_528] {strides = array<i32>} : memref<200x128xf32, #tpu.memory_space<vmem>>, vector<1x16xf32>,
        %get3A_530 = vector.shape_cast %get3A_529 : vector<1x16xf32> to vector<16xf32>
        %swap3A_531 = arith.constant 1 : i32
        %swap3A_532 = arith.index_cast %swap3A_531 : i32 to index
        %swap3A_533 = arith.index_cast %scan3A_448 : i32 to index
        %swap3A_534 = arith.constant 96 : index
        %swap3A_535 = tpu.vector_load %arg10[%swap3A_532, %swap3A_533, %swap3A_534] {strides = array<i32>} : memref<2x112x128xf32, #tpu.memory_space<vmem>>, vector<1x1x16xf32>,
        %swap3A_536 = vector.shape_cast %swap3A_535 : vector<1x1x16xf32> to vector<16xf32>
        %swap3A_537 = vector.shape_cast %get3A_530 : vector<16xf32> to vector<1x1x16xf32>
        tpu.vector_store %arg10[%swap3A_532, %swap3A_533, %swap3A_534], %swap3A_537 {add = true, strides = array<i32>} : memref<2x112x128xf32, #tpu.memory_space<vmem>>, vector<1x1x16xf32>,
        %add3A_538 = arith.constant 88 : i32
        %add3A_539 = arith.addi %add3A_538, %scan3A_448 : i32
        %get3A_540 = arith.index_cast %add3A_539 : i32 to index
        %get3A_541 = arith.constant 112 : index
        %get3A_542 = tpu.vector_load %arg11[%get3A_540, %get3A_541] {strides = array<i32>} : memref<200x128xf32, #tpu.memory_space<vmem>>, vector<1x16xf32>,
        %get3A_543 = vector.shape_cast %get3A_542 : vector<1x16xf32> to vector<16xf32>
        %swap3A_544 = arith.constant 1 : i32
        %swap3A_545 = arith.index_cast %swap3A_544 : i32 to index
        %swap3A_546 = arith.index_cast %scan3A_448 : i32 to index
        %swap3A_547 = arith.constant 112 : index
        %swap3A_548 = tpu.vector_load %arg10[%swap3A_545, %swap3A_546, %swap3A_547] {strides = array<i32>} : memref<2x112x128xf32, #tpu.memory_space<vmem>>, vector<1x1x16xf32>,
        %swap3A_549 = vector.shape_cast %swap3A_548 : vector<1x1x16xf32> to vector<16xf32>
        %swap3A_550 = vector.shape_cast %get3A_543 : vector<16xf32> to vector<1x1x16xf32>
        tpu.vector_store %arg10[%swap3A_545, %swap3A_546, %swap3A_547], %swap3A_550 {add = true, strides = array<i32>} : memref<2x112x128xf32, #tpu.memory_space<vmem>>, vector<1x1x16xf32>,
      }
      %scan3A_391 = arith.constant 112 : i32
      %ge3A_392 = arith.constant 1 : i32
      %ge3A_393 = arith.cmpi sge, %add3A_350, %ge3A_392 : i32
      %convert_element_type3A_394 = arith.extui %ge3A_393 : i1 to i32
      %cond3A_395 = arith.constant 0 : i32
      %cond3A_396 = arith.cmpi ne, %convert_element_type3A_394, %cond3A_395 : i32
      scf.if %cond3A_396 {
        %sub3A_448 = arith.constant 1 : i32
        %sub3A_449 = arith.subi %add3A_350, %sub3A_448 : i32
        %jit3A_450 = arith.constant 2 : i32
        %div3A_451 = arith.divsi %sub3A_449, %jit3A_450 : i32
        %sign3A_452 = arith.constant 0 : i32
        %sign3A_453 = arith.cmpi sgt, %sub3A_449, %sign3A_452 : i32
        %sign3A_454 = arith.extui %sign3A_453 : i1 to i32
        %sign3A_455 = arith.constant 0 : i32
        %sign3A_456 = arith.cmpi slt, %sub3A_449, %sign3A_455 : i32
        %sign3A_457 = arith.extui %sign3A_456 : i1 to i32
        %sign3A_458 = arith.subi %sign3A_454, %sign3A_457 : i32
        %sign3A_459 = arith.constant 0 : i32
        %sign3A_460 = arith.cmpi sgt, %jit3A_450, %sign3A_459 : i32
        %sign3A_461 = arith.extui %sign3A_460 : i1 to i32
        %sign3A_462 = arith.constant 0 : i32
        %sign3A_463 = arith.cmpi slt, %jit3A_450, %sign3A_462 : i32
        %sign3A_464 = arith.extui %sign3A_463 : i1 to i32
        %sign3A_465 = arith.subi %sign3A_461, %sign3A_464 : i32
        %ne3A_466 = arith.cmpi ne, %sign3A_458, %sign3A_465 : i32
        %rem3A_467 = arith.remsi %sub3A_449, %jit3A_450 : i32
        %ne3A_468 = arith.constant 0 : i32
        %ne3A_469 = arith.cmpi ne, %rem3A_467, %ne3A_468 : i32
        %and3A_470 = arith.andi %ne3A_466, %ne3A_469 : i1
        %sub3A_471 = arith.constant 1 : i32
        %sub3A_472 = arith.subi %div3A_451, %sub3A_471 : i32
        %select_n3A_473 = arith.select %and3A_470, %sub3A_472, %div3A_451 : i32
        %add3A_474 = arith.addi %mul3A_2, %select_n3A_473 : i32
        %dma_wait3A_475 = arith.constant 1 : i32
        %dma_wait3A_476 = arith.constant 0 : i32
        %dma_wait3A_477 = arith.constant 0 : i32
        %dma_wait3A_478 = tpu.memref_slice %arg9[%dma_wait3A_475, %dma_wait3A_476, %dma_wait3A_477] : memref<2x88x128xf32, #tpu.memory_space<vmem>> -> memref<1x88x128xf32, #tpu.memory_space<vmem>>
        %dma_wait3A_479 = tpu.memref_squeeze %dma_wait3A_478 : memref<1x88x128xf32, #tpu.memory_space<vmem>> -> memref<88x128xf32, #tpu.memory_space<vmem>>
        %dma_wait3A_480 = arith.constant 0 : i32
        %dma_wait3A_481 = arith.constant 0 : i32
        %dma_wait3A_482 = tpu.memref_slice %arg6[%add3A_474, %dma_wait3A_480, %dma_wait3A_481] : memref<1024x200x128xf32, #tpu.memory_space<hbm>> -> memref<1x88x128xf32, #tpu.memory_space<hbm>>
        %dma_wait3A_483 = tpu.memref_squeeze %dma_wait3A_482 : memref<1x88x128xf32, #tpu.memory_space<hbm>> -> memref<88x128xf32, #tpu.memory_space<hbm>>
        %dma_wait3A_484 = arith.constant 0 : i32
        %dma_wait3A_485 = arith.constant 0 : i32
        %dma_wait3A_486 = tpu.memref_slice %arg6[%add3A_474, %dma_wait3A_484, %dma_wait3A_485] : memref<1024x200x128xf32, #tpu.memory_space<hbm>> -> memref<1x88x128xf32, #tpu.memory_space<hbm>>
        %dma_wait3A_487 = tpu.memref_squeeze %dma_wait3A_486 : memref<1x88x128xf32, #tpu.memory_space<hbm>> -> memref<88x128xf32, #tpu.memory_space<hbm>>
        %dma_wait3A_488 = arith.constant 0 : i32
        %dma_wait3A_489 = arith.constant 0 : i32
        %dma_wait3A_490 = tpu.memref_slice %arg9[%dma_wait3A_475, %dma_wait3A_488, %dma_wait3A_489] : memref<2x88x128xf32, #tpu.memory_space<vmem>> -> memref<1x88x128xf32, #tpu.memory_space<vmem>>
        %dma_wait3A_491 = tpu.memref_squeeze %dma_wait3A_490 : memref<1x88x128xf32, #tpu.memory_space<vmem>> -> memref<88x128xf32, #tpu.memory_space<vmem>>
        tpu.wait_dma2 semaphore(%arg18 : memref<!tpu.dma_semaphore, #tpu.memory_space<semaphore_mem>>) src(%dma_wait3A_491 : memref<88x128xf32, #tpu.memory_space<vmem>>) dst(%dma_wait3A_487 : memref<88x128xf32, #tpu.memory_space<hbm>>)
      } else {
      }
      %add3A_397 = arith.constant 4 : i32
      %add3A_398 = arith.addi %add3A_350, %add3A_397 : i32
      %sub3A_399 = arith.constant 1 : i32
      %sub3A_400 = arith.subi %add3A_398, %sub3A_399 : i32
      %lt3A_401 = arith.constant 64 : i32
      %lt3A_402 = arith.cmpi slt, %sub3A_400, %lt3A_401 : i32
      %convert_element_type3A_403 = arith.extui %lt3A_402 : i1 to i32
      %cond3A_404 = arith.constant 0 : i32
      %cond3A_405 = arith.cmpi ne, %convert_element_type3A_403, %cond3A_404 : i32
      scf.if %cond3A_405 {
        %add3A_448 = arith.constant 4 : i32
        %add3A_449 = arith.addi %add3A_350, %add3A_448 : i32
        %sub3A_450 = arith.constant 1 : i32
        %sub3A_451 = arith.subi %add3A_449, %sub3A_450 : i32
        %jit3A_452 = arith.constant 2 : i32
        %div3A_453 = arith.divsi %sub3A_451, %jit3A_452 : i32
        %sign3A_454 = arith.constant 0 : i32
        %sign3A_455 = arith.cmpi sgt, %sub3A_451, %sign3A_454 : i32
        %sign3A_456 = arith.extui %sign3A_455 : i1 to i32
        %sign3A_457 = arith.constant 0 : i32
        %sign3A_458 = arith.cmpi slt, %sub3A_451, %sign3A_457 : i32
        %sign3A_459 = arith.extui %sign3A_458 : i1 to i32
        %sign3A_460 = arith.subi %sign3A_456, %sign3A_459 : i32
        %sign3A_461 = arith.constant 0 : i32
        %sign3A_462 = arith.cmpi sgt, %jit3A_452, %sign3A_461 : i32
        %sign3A_463 = arith.extui %sign3A_462 : i1 to i32
        %sign3A_464 = arith.constant 0 : i32
        %sign3A_465 = arith.cmpi slt, %jit3A_452, %sign3A_464 : i32
        %sign3A_466 = arith.extui %sign3A_465 : i1 to i32
        %sign3A_467 = arith.subi %sign3A_463, %sign3A_466 : i32
        %ne3A_468 = arith.cmpi ne, %sign3A_460, %sign3A_467 : i32
        %rem3A_469 = arith.remsi %sub3A_451, %jit3A_452 : i32
        %ne3A_470 = arith.constant 0 : i32
        %ne3A_471 = arith.cmpi ne, %rem3A_469, %ne3A_470 : i32
        %and3A_472 = arith.andi %ne3A_468, %ne3A_471 : i1
        %sub3A_473 = arith.constant 1 : i32
        %sub3A_474 = arith.subi %div3A_453, %sub3A_473 : i32
        %select_n3A_475 = arith.select %and3A_472, %sub3A_474, %div3A_453 : i32
        %dma_start3A_476 = arith.constant 1 : i32
        %dma_start3A_477 = arith.constant 0 : i32
        %dma_start3A_478 = arith.constant 0 : i32
        %dma_start3A_479 = tpu.memref_slice %arg9[%dma_start3A_476, %dma_start3A_477, %dma_start3A_478] : memref<2x88x128xf32, #tpu.memory_space<vmem>> -> memref<1x88x128xf32, #tpu.memory_space<vmem>>
        %dma_start3A_480 = tpu.memref_squeeze %dma_start3A_479 : memref<1x88x128xf32, #tpu.memory_space<vmem>> -> memref<88x128xf32, #tpu.memory_space<vmem>>
        %dma_start3A_481 = arith.constant 0 : i32
        %dma_start3A_482 = tpu.memref_slice %arg7[%select_n3A_475, %dma_start3A_481] : memref<32x88xi32, #tpu.memory_space<vmem>> -> memref<1x88xi32, #tpu.memory_space<vmem>>
        %dma_start3A_483 = tpu.memref_squeeze %dma_start3A_482 : memref<1x88xi32, #tpu.memory_space<vmem>> -> memref<88xi32, #tpu.memory_space<vmem>>
        %dma_start3A_484 = arith.constant 0 : i32
        %dma_start3A_485 = arith.constant 0 : i32
        %dma_start3A_486 = tpu.memref_slice %arg4[%dma_start3A_484, %dma_start3A_485] : memref<100000x128xf32, #tpu.memory_space<hbm>> -> memref<100000x128xf32, #tpu.memory_space<hbm>>
        tpu.enqueue_indirect_dma source(%dma_start3A_486 : memref<100000x128xf32, #tpu.memory_space<hbm>>) target(%dma_start3A_480 : memref<88x128xf32, #tpu.memory_space<vmem>>) offsets(%dma_start3A_483 : memref<88xi32, #tpu.memory_space<vmem>>) semaphore(%arg14 : memref<!tpu.dma_semaphore, #tpu.memory_space<semaphore_mem>>)
      } else {
      }
      %jit3A_406 = arith.constant 2 : i32
      %div3A_407 = arith.divsi %add3A_350, %jit3A_406 : i32
      %sign3A_408 = arith.constant 0 : i32
      %sign3A_409 = arith.cmpi sgt, %add3A_350, %sign3A_408 : i32
      %sign3A_410 = arith.extui %sign3A_409 : i1 to i32
      %sign3A_411 = arith.constant 0 : i32
      %sign3A_412 = arith.cmpi slt, %add3A_350, %sign3A_411 : i32
      %sign3A_413 = arith.extui %sign3A_412 : i1 to i32
      %sign3A_414 = arith.subi %sign3A_410, %sign3A_413 : i32
      %sign3A_415 = arith.constant 0 : i32
      %sign3A_416 = arith.cmpi sgt, %jit3A_406, %sign3A_415 : i32
      %sign3A_417 = arith.extui %sign3A_416 : i1 to i32
      %sign3A_418 = arith.constant 0 : i32
      %sign3A_419 = arith.cmpi slt, %jit3A_406, %sign3A_418 : i32
      %sign3A_420 = arith.extui %sign3A_419 : i1 to i32
      %sign3A_421 = arith.subi %sign3A_417, %sign3A_420 : i32
      %ne3A_422 = arith.cmpi ne, %sign3A_414, %sign3A_421 : i32
      %rem3A_423 = arith.remsi %add3A_350, %jit3A_406 : i32
      %ne3A_424 = arith.constant 0 : i32
      %ne3A_425 = arith.cmpi ne, %rem3A_423, %ne3A_424 : i32
      %and3A_426 = arith.andi %ne3A_422, %ne3A_425 : i1
      %sub3A_427 = arith.constant 1 : i32
      %sub3A_428 = arith.subi %div3A_407, %sub3A_427 : i32
      %select_n3A_429 = arith.select %and3A_426, %sub3A_428, %div3A_407 : i32
      %add3A_430 = arith.addi %mul3A_2, %select_n3A_429 : i32
      %dma_start3A_431 = arith.constant 1 : i32
      %dma_start3A_432 = arith.constant 0 : i32
      %dma_start3A_433 = arith.constant 0 : i32
      %dma_start3A_434 = tpu.memref_slice %arg10[%dma_start3A_431, %dma_start3A_432, %dma_start3A_433] : memref<2x112x128xf32, #tpu.memory_space<vmem>> -> memref<1x112x128xf32, #tpu.memory_space<vmem>>
      %dma_start3A_435 = tpu.memref_squeeze %dma_start3A_434 : memref<1x112x128xf32, #tpu.memory_space<vmem>> -> memref<112x128xf32, #tpu.memory_space<vmem>>
      %dma_start3A_436 = arith.constant 88 : i32
      %dma_start3A_437 = arith.constant 0 : i32
      %dma_start3A_438 = tpu.memref_slice %arg6[%add3A_430, %dma_start3A_436, %dma_start3A_437] : memref<1024x200x128xf32, #tpu.memory_space<hbm>> -> memref<1x112x128xf32, #tpu.memory_space<hbm>>
      %dma_start3A_439 = tpu.memref_squeeze %dma_start3A_438 : memref<1x112x128xf32, #tpu.memory_space<hbm>> -> memref<112x128xf32, #tpu.memory_space<hbm>>
      %dma_start3A_440 = arith.constant 88 : i32
      %dma_start3A_441 = arith.constant 0 : i32
      %dma_start3A_442 = tpu.memref_slice %arg6[%add3A_430, %dma_start3A_440, %dma_start3A_441] : memref<1024x200x128xf32, #tpu.memory_space<hbm>> -> memref<1x112x128xf32, #tpu.memory_space<hbm>>
      %dma_start3A_443 = tpu.memref_squeeze %dma_start3A_442 : memref<1x112x128xf32, #tpu.memory_space<hbm>> -> memref<112x128xf32, #tpu.memory_space<hbm>>
      %dma_start3A_444 = arith.constant 0 : i32
      %dma_start3A_445 = arith.constant 0 : i32
      %dma_start3A_446 = tpu.memref_slice %arg10[%dma_start3A_431, %dma_start3A_444, %dma_start3A_445] : memref<2x112x128xf32, #tpu.memory_space<vmem>> -> memref<1x112x128xf32, #tpu.memory_space<vmem>>
      %dma_start3A_447 = tpu.memref_squeeze %dma_start3A_446 : memref<1x112x128xf32, #tpu.memory_space<vmem>> -> memref<112x128xf32, #tpu.memory_space<vmem>>
      tpu.enqueue_dma source(%dma_start3A_447 : memref<112x128xf32, #tpu.memory_space<vmem>>) target(%dma_start3A_443 : memref<112x128xf32, #tpu.memory_space<hbm>>) target_semaphore(%arg19 : memref<!tpu.dma_semaphore, #tpu.memory_space<semaphore_mem>>)
    }
    %scan3A_42 = arith.constant 16 : i32
    %add3A_43 = arith.constant 31 : i32
    %add3A_44 = arith.addi %mul3A_2, %add3A_43 : i32
    %dma_wait3A = arith.constant 1 : i32
    %dma_wait3A_45 = arith.constant 0 : i32
    %dma_wait3A_46 = arith.constant 0 : i32
    %dma_wait3A_47 = tpu.memref_slice %arg10[%dma_wait3A, %dma_wait3A_45, %dma_wait3A_46] : memref<2x112x128xf32, #tpu.memory_space<vmem>> -> memref<1x112x128xf32, #tpu.memory_space<vmem>>
    %dma_wait3A_48 = tpu.memref_squeeze %dma_wait3A_47 : memref<1x112x128xf32, #tpu.memory_space<vmem>> -> memref<112x128xf32, #tpu.memory_space<vmem>>
    %dma_wait3A_49 = arith.constant 88 : i32
    %dma_wait3A_50 = arith.constant 0 : i32
    %dma_wait3A_51 = tpu.memref_slice %arg6[%add3A_44, %dma_wait3A_49, %dma_wait3A_50] : memref<1024x200x128xf32, #tpu.memory_space<hbm>> -> memref<1x112x128xf32, #tpu.memory_space<hbm>>
    %dma_wait3A_52 = tpu.memref_squeeze %dma_wait3A_51 : memref<1x112x128xf32, #tpu.memory_space<hbm>> -> memref<112x128xf32, #tpu.memory_space<hbm>>
    %dma_wait3A_53 = arith.constant 88 : i32
    %dma_wait3A_54 = arith.constant 0 : i32
    %dma_wait3A_55 = tpu.memref_slice %arg6[%add3A_44, %dma_wait3A_53, %dma_wait3A_54] : memref<1024x200x128xf32, #tpu.memory_space<hbm>> -> memref<1x112x128xf32, #tpu.memory_space<hbm>>
    %dma_wait3A_56 = tpu.memref_squeeze %dma_wait3A_55 : memref<1x112x128xf32, #tpu.memory_space<hbm>> -> memref<112x128xf32, #tpu.memory_space<hbm>>
    %dma_wait3A_57 = arith.constant 0 : i32
    %dma_wait3A_58 = arith.constant 0 : i32
    %dma_wait3A_59 = tpu.memref_slice %arg10[%dma_wait3A, %dma_wait3A_57, %dma_wait3A_58] : memref<2x112x128xf32, #tpu.memory_space<vmem>> -> memref<1x112x128xf32, #tpu.memory_space<vmem>>
    %dma_wait3A_60 = tpu.memref_squeeze %dma_wait3A_59 : memref<1x112x128xf32, #tpu.memory_space<vmem>> -> memref<112x128xf32, #tpu.memory_space<vmem>>
    tpu.wait_dma2 semaphore(%arg19 : memref<!tpu.dma_semaphore, #tpu.memory_space<semaphore_mem>>) src(%dma_wait3A_60 : memref<112x128xf32, #tpu.memory_space<vmem>>) dst(%dma_wait3A_56 : memref<112x128xf32, #tpu.memory_space<hbm>>)
    return
  }
}

</mosaic_0001>

<sc_bundles>
// kernel: kernel.3.cloned.1.call-start
scs
__scs_entry_jumppad:
0x0: {  	(pc) =	sbr.rel $0x88, $3  }
0x1: {  	(tag) =	ssettag $0x0;
	lr =	simm.s32 $0x1  }
0x2: {  	[smem:$0x3F9E] =	sst lr;
	_ =	strace $0xD0000000  }
0x3: {  	_ = 	snop  }
0x4: {  	_ = 	snop  }
0x5: {  	_ = 	snop  }
0x6: {  	_ = 	snop  }
0x7: {  	_ = 	snop  }
__scs_overlays_trampoline_lowered:
0x8: {  	[smem:$0x3FAD] =	sst s0  }
0x9: {  	[smem:$0x3FAE] =	sst s1  }
0xa: {  	[smem:$0x3FAF] =	sst s2  }
0xb: {  	[smem:$0x3FB0] =	sst s3  }
0xc: {  	[smem:$0x3FB1] =	sst s4  }
0xd: {  	[smem:$0x3FB2] =	sst s5  }
0xe: {  	[smem:$0x3FB3] =	sst s6  }
0xf: {  	[smem:$0x3FB4] =	sst s7  }
0x10: {  	[smem:$0x3FB5] =	sst s8  }
0x11: {  	[smem:$0x3FB6] =	sst s9;
	s0 =	simm.s32 @!p0 $0x0  }
0x12: {  	s1 =	sld [smem:$0x3F9C];
	s0 =	simm.s32 @p0 $0x1  }
0x13: {  	[smem:$0x3FB7] =	sst s0;
	s0 =	simm.s32 @!p1 $0x0  }
0x14: {  	s2 =	sld [smem:$0x3F9B];
	s0 =	simm.s32 @p1 $0x1  }
0x15: {  	[smem:$0x3FB8] =	sst s0;
	s0 =	simm.s32 @!p2 $0x0  }
0x16: {  	s3 =	sld [smem:$0x3FDB];
	s0 =	simm.s32 @p2 $0x1  }
0x17: {  	s4 =	simm.s32 $0x1BF5;
	[smem:$0x3FBA] =	sst s0  }
0x18: {  	s0 =	sld [smem:$0x3F9D];
	_ =	swait.ge [sflag:s4], $0x0  }
0x19: {  	s7 =	sld [smem:$0x3F9E]  }
0x1a: {  	s8 =	sadd.s32 $0xFFFFE003, lr  }
0x1b: {  	s9 =	sadd.s32 $0xFFFFFEF7, lr;
	s5 =	simm.s32 $0xFFFFFFFF;
	p2 =	slt.u32 s8, $0xFFFFF086  }
0x1c: {  	p1 =	slt.u32 s9, $0xF7A;
	s5 =	simm.s32 @!p2 $0x0  }
0x1d: {  	s5 =	simm.s32 @p1 $0x1;
	p0 =	seq.s32 s7, s2  }
0x1e: {  	s7 =	smul.u32 @!p0 $0xF7A, s2;
	p2 =	seq.s32 @!p0 s5, $0x0  }
0x1f: {  	s9 =	smul.u32 $0xF7A, s1;
	s8 =	simm.s32 @!p0 $0x1BF5;
	p2 =	por !p2, p0  }
0x20: {  	[sflag:s8] =	ssyncset.s32 @!p0 $0xFFFFF086;
	s6 =	sadd.s32 @!p0 s3, s7;
	s7 =	simm.s32 @!p0 $0x108  }
0x21: {  	s3 =	sadd.s32 s3, s9;
	s6 =	sadd.s32 @!p0 $0x88, s6;
	s7 =	simm.s32 @p2 $0x1082  }
0x22: {  	[simem:s7], [sflag:s8] =	dma.local @!p0 [hbm:s6], $0xF7A  }
0x23: {  	s9 =	sor.u32 $0xD0000000, s2;
	s6 =	simm.s32 $0x108;
	_ =	swait.ge @!p0 [sflag:s8], $0x0  }
0x24: {  	s3 =	sadd.s32 $0x88, s3;
	s6 =	simm.s32 @!p1 $0x1082;
	[sflag:s4] =	ssyncset.s32 $0xFFFFF086  }
0x25: {  	[simem:s6], [sflag:s4] =	dma.local [hbm:s3], $0xF7A  }
0x26: {  	[smem:$0x3F9E] =	sst s1;
	(tag) =	ssettag s2;
	_ =	strace s9  }
0x27: {  	s1 =	sld [smem:$0x3FAE]  }
0x28: {  	s2 =	sld [smem:$0x3FAF]  }
0x29: {  	s4 =	sld [smem:$0x3FB1]  }
0x2a: {  	p0 =	seq.s32 s5, $0x0;
	s5 =	sld [smem:$0x3FB2]  }
0x2b: {  	s6 =	sld [smem:$0x3FB3]  }
0x2c: {  	s7 =	sld [smem:$0x3FB4]  }
0x2d: {  	s3 =	simm.s32 $0x108;
	s8 =	sld [smem:$0x3FB5]  }
0x2e: {  	s3 =	simm.s32 @!p0 $0x1082;
	s9 =	sld [smem:$0x3FB6]  }
0x2f: {  	lr =	sadd.s32 s0, s3;
	s0 =	sld [smem:$0x3FAD]  }
0x30: {  	s3 =	sld [smem:$0x3FB0]  }
0x31: {  	[smem:$0x3FB9] =	sst s10  }
0x32: {  	s10 =	sld [smem:$0x3FB7];
	_ =	sdelay $0x3  }
0x33: {  	p0 =	seq.s32 s10, $0x1;
	s10 =	sld [smem:$0x3FB9];
	_ =	sdelay $0x3  }
0x34: {  	[smem:$0x3FB9] =	sst s10  }
0x35: {  	s10 =	sld [smem:$0x3FB8];
	_ =	sdelay $0x3  }
0x36: {  	p1 =	seq.s32 s10, $0x1;
	s10 =	sld [smem:$0x3FB9];
	_ =	sdelay $0x3  }
0x37: {  	[smem:$0x3FB9] =	sst s10  }
0x38: {  	s10 =	sld [smem:$0x3FBA]  }
0x39: {  	_ = 	snop;
	(pc) =	sbr.ind lr, $3  }
0x3a: {  	_ = 	snop  }
0x3b: {  	_ = 	snop  }
0x3c: {  	p2 =	seq.s32 s10, $0x1;
	s10 =	sld [smem:$0x3FB9]  }
0x3d: {  	_ =	shalt  }
0x3e: {  	_ =	shalt  }
0x3f: {  	_ =	shalt  }
0x40: {  	_ =	shalt  }
0x41: {  	_ =	shalt  }
0x42: {  	_ =	shalt  }
0x43: {  	_ =	shalt  }
0x44: {  	_ =	shalt  }
0x45: {  	_ =	shalt  }
0x46: {  	_ =	shalt  }
0x47: {  	_ =	shalt  }
0x48: {  	_ =	shalt  }
0x49: {  	_ =	shalt  }
0x4a: {  	_ =	shalt  }
0x4b: {  	_ =	shalt  }
0x4c: {  	_ =	shalt  }
0x4d: {  	_ =	shalt  }
0x4e: {  	_ =	shalt  }
0x4f: {  	_ =	shalt  }
0x50: {  	_ =	shalt  }
0x51: {  	_ =	shalt  }
0x52: {  	_ =	shalt  }
0x53: {  	_ =	shalt  }
0x54: {  	_ =	shalt  }
0x55: {  	_ =	shalt  }
0x56: {  	_ =	shalt  }
0x57: {  	_ =	shalt  }
0x58: {  	_ =	shalt  }
0x59: {  	_ =	shalt  }
0x5a: {  	_ =	shalt  }
0x5b: {  	_ =	shalt  }
0x5c: {  	_ =	shalt  }
0x5d: {  	_ =	shalt  }
0x5e: {  	_ =	shalt  }
0x5f: {  	_ =	shalt  }
0x60: {  	_ =	shalt  }
0x61: {  	_ =	shalt  }
0x62: {  	_ =	shalt  }
0x63: {  	_ =	shalt  }
0x64: {  	_ =	shalt  }
0x65: {  	_ =	shalt  }
0x66: {  	_ =	shalt  }
0x67: {  	_ =	shalt  }
0x68: {  	_ =	shalt  }
0x69: {  	_ =	shalt  }
0x6a: {  	_ =	shalt  }
0x6b: {  	_ =	shalt  }
0x6c: {  	_ =	shalt  }
0x6d: {  	_ =	shalt  }
0x6e: {  	_ =	shalt  }
0x6f: {  	_ =	shalt  }
0x70: {  	_ =	shalt  }
0x71: {  	_ =	shalt  }
0x72: {  	_ =	shalt  }
0x73: {  	_ =	shalt  }
0x74: {  	_ =	shalt  }
0x75: {  	_ =	shalt  }
0x76: {  	_ =	shalt  }
0x77: {  	_ =	shalt  }
0x78: {  	_ =	shalt  }
0x79: {  	_ =	shalt  }
0x7a: {  	_ =	shalt  }
0x7b: {  	_ =	shalt  }
0x7c: {  	_ =	shalt  }
0x7d: {  	_ =	shalt  }
0x7e: {  	_ =	shalt  }
0x7f: {  	_ =	shalt  }
0x80: {  	_ =	shalt  }
0x81: {  	_ =	shalt  }
0x82: {  	_ =	shalt  }
0x83: {  	_ =	shalt  }
0x84: {  	_ =	shalt  }
0x85: {  	_ =	shalt  }
0x86: {  	_ =	shalt  }
0x87: {  	_ =	shalt  }
.Lfunc_end0:
.L_simem_size_0:
called_computation_lowered:
.L_overlay_start_0:
0x88: {  	s2 =	sld [smem:$0x3FD9]  }
0x89: {  	s3 =	sld [smem:$0x3FFE];
	_ =	sdelay $0x1  }
0x8a: {  	s1 =	srdreg.scid  }
0x8b: {  	s0 =	sand.u32 $0x1, s1  }
0x8c: {  	s17 =	sshll.u32 s0, $0xA;
	s2 =	sadd.s32 s3, s2  }
0x8d: {  	s2 =	sadd.s32 s2, s17  }
0x8e: {  	[smem:$0x3FC5] =	sst s2  }
0x8f: {  	_ = 	snop  }
0x90: {  	s2 =	sld [smem:$0x3FC8]  }
0x91: {  	s18 =	sld [smem:$0x3FC7]  }
0x92: {  	s4 =	sld [smem:$0x3FD0];
	(tm) =	ssettm $0x1  }
0x93: {  	s5 =	sld [smem:$0x3FFB];
	_ =	sdelay $0x3  }
0x94: {  	_ =	strace s5  }
0x95: {  	s5 =	sld [smem:$0x3FFC];
	_ =	sdelay $0x3  }
0x96: {  	_ =	strace s5  }
0x97: {  	s5 =	sld [smem:$0x3FFD];
	_ =	sdelay $0x3  }
0x98: {  	_ =	strace s5  }
0x99: {  	_ =	strace $0x8FFFFFFF  }
0x9a: {  	s19 =	sld [smem:$0x3FDB];
	_ =	sdelay $0x1  }
0x9b: {  	s6 =	simm.s32 $_scs_section_size  }
0x9c: {  	s7 =	simm.s32 $_size__tile_overlayer_lowered;
	s8 =	simm.s32 $_tile_overlayer_lowered  }
0x9d: {  	s22 =	simm.s32 $0x1BFF;
	s21 =	sshll.u32 s8, $0x1;
	s5 =	sadd.s32 s6, s19  }
0x9e: {  	s9 =	simm.s32 $0x0;
	s20 =	sshll.u32 s7, $0x1;
	s7 =	sadd.s32 s21, s5  }
0x9f: {  	[timem:s9], [sflag:s22] =	dma.local [hbm:s7], s20  }
0xa0: {  	_ =	swait.ge [sflag:s22], s20  }
0xa1: {  	s6 =	ssub.s32 $0x0, s20;
	[sflag:s22] =	ssyncset.done $0x0  }
0xa2: {  	[sflag:s22] =	ssyncadd.s32 s6;
	_ =	sdelay $0x1  }
0xa3: {  	s23 =	simm.s32 $0x1B8B  }
0xa4: {  	_ =	swait.ge [sflag:s23], $0x1  }
0xa5: {  	[sflag:s23] =	ssyncset.done $0x0  }
0xa6: {  	s25 =	simm.s32 $0x1B8E;
	s24 =	sld [smem:$0x3FFE];
	[sflag:s23] =	ssyncadd.s32 $0xFFFFFFFF  }
0xa7: {  	s26 =	simm.s32 $execute0_lowered;
	[smem:$0x3FD2] =	sst s25  }
0xa8: {  	s7 =	sshll.u32 s26, $0x1;
	_ =	strace $0x80000046;
	[dreg:$0x1] =	wrdreg $0xFFFFFFFF  }
0xa9: {  	s28 =	simm.s32 $_size_execute0_lowered;
	s5 =	sadd.s32 s5, s7;
	[dreg:$0x0] =	wrdreg $0x0  }
0xaa: {  	s7 =	sshll.u32 s28, $0x1;
	[dreg:$0x2] =	wrdreg s5  }
0xab: {  	[dreg:$0x3] =	wrdreg s7  }
0xac: {  	[dreg:$0x4] =	wrdreg $0xC0  }
0xad: {  	_ =	task [dreg:s9], $0x5FFFF  }
0xae: {  	[dreg:$0x1] =	wrdreg $0xFFFFFFFF  }
0xaf: {  	[dreg:$0x0] =	wrdreg $0x60  }
0xb0: {  	[dreg:$0x2] =	wrdreg s24  }
0xb1: {  	[dreg:$0x3] =	wrdreg s2  }
0xb2: {  	[dreg:$0x4] =	wrdreg s18  }
0xb3: {  	[dreg:$0x5] =	wrdreg s4  }
0xb4: {  	[dreg:$0x6] =	wrdreg $0x9  }
0xb5: {  	_ =	task.clear_ibuf [dreg:s9], $0x7FFFF;
	_ =	strace $0x90000046  }
0xb6: {  	s29 =	simm.s32 $0x9;
	_ =	strace $0x80000048  }
0xb7: {  	_ =	swait.ge [sflag:s29], $0x1  }
0xb8: {  	[sflag:s29] =	ssyncadd.s32 $0xFFFFFFFF  }
0xb9: {  	_ =	strace $0x90000048  }
0xba: {  	_ =	sfence  }
0xbb: {  	s30 =	sld [smem:$0x0];
	_ =	sdelay $0x2  }
0xbc: {  	s31 =	sshll.u32 s1, $0xD;
	s1 =	sshrl.u32 s1, $0x2  }
0xbd: {  	s3 =	sand.u32 $0x4000, s31;
	s1 =	sadd.s32 s1, s30  }
0xbe: {  	s0 =	sor.u32 s3, s0;
	s1 =	sshll.u32 s1, $0x11  }
0xbf: {  	s0 =	sor.u32 s1, s0  }
0xc0: {  	s0 =	sadd.s32 $0x8F2B, s0  }
0xc1: {  	[sflag:s0] =	ssyncadd.remote.s32 $0x1  }
0xc2: {  	_ =	sfence.sel $0xFFFF  }
0xc3: {  	[dreg:$0x0] =	wrdreg $0xFFFFFFFF;
	(pc) =	sbr.abs _section_cstart, $3  }
0xc4: {  	[dreg:$0x1] =	wrdreg $0xFFFFFFFF  }
0xc5: {  	_ =	task.clear_ibuf [dreg:s9], $0x2FFFF;
	_ =	strace $0x9FFFFFFF  }
0xc6: {  	(tm) =	ssettm $0x7FFFFFFF  }
0xc7: {  	_ =	shalt  }
tec
execute0_lowered:
.L_overlay_start_1:
0x0: {  	(tag) =	ssettag $0x1  }
0x1: {  	s0 =	rddreg [dreg:$0x0]  }
0x2: {  	s1 =	rddreg [dreg:$0x1];
	s2 =	srdreg.scid  }
0x3: {  	s3 =	stileid.u32;
	s4 =	rddreg [dreg:$0x3];
	s6 =	simm.s32 $0x0  }
0x4: {  	s11 =	simm.s32 $0x9;
	s13 =	simm.s32 $0x58;
	s14 =	simm.s32 $0x2000  }
0x5: {  	s15 =	simm.s32 $0x70;
	s16 =	simm.s32 $0x7800;
	s18 =	simm.s32 $0x4C00  }
0x6: {  	s19 =	simm.s32 $0x1;
	s20 =	simm.s32 $0xB000;
	s21 =	simm.s32 $0x2  }
0x7: {  	s22 =	simm.s32 $0x5;
	s23 =	simm.s32 $0x3;
	s24 =	simm.s32 $0x6  }
0x8: {  	s25 =	simm.s32 $0x4;
	s26 =	simm.s32 $0x7;
	s2 =	sand.u32 $0x1, s2  }
0x9: {  	s28 =	simm.s32 $0x8;
	s3 =	sshll.u32 s3, $0x6;
	s5 =	sshll.u32 s2, $0x5  }
0xa: {  	s29 =	simm.s32 $0x0;
	s2 =	ssub.s32 $0x2, s2;
	s5 =	sor.u32 s5, s3  }
0xb: {  	[smem:$0x7FF] =	sst s6;
	s31 =	sshrl.u32 s2, $0x1;
	s3 =	sshll.u32 s5, $0x4  }
0xc: {  	_ =	strace $0x80000047;
	s2 =	ssub.s32 s2, s31;
	s0 =	sadd.s32 s3, s0  }
0xd: {  	s9 =	smax.u32 s2, $0x1;
	s7 =	sadd.s32 $0x400, s0;
	s8 =	sadd.s32 $0x4400, s0  }
.LBB2_1:
0xe: {  	s0 =	rddreg [dreg:$0x2];
	s2 =	simm.s32 $0xE800  }
0xf: {  	[tilespmem:s2], [sflag:$0x9] =	stream.linear.gather [hbm4b:s0+s6], $0x6400, $0x38;
	[tilespmem:$0x14C00] =	vst v63  }
0x10: {  	_ =	swait.ge [sflag:s11], $0x6400  }
0x11: {  	[sflag:s11] =	ssyncset.done $0x0  }
0x12: {  	[sflag:s11] =	ssyncadd.s32 $0xFFFF9C00  }
0x13: {  	[tilespmem:s6], [sflag:$0x9] =	stream.linear.gather [hbm4b:s7+s6], $0x1000, $0x38;
	[tilespmem:$0x14C00] =	vst v63  }
0x14: {  	_ =	swait.ge [sflag:s11], $0x1000  }
0x15: {  	[sflag:s11] =	ssyncset.done $0x0  }
0x16: {  	s17 =	simm.s32 $0x1000;
	[sflag:s11] =	ssyncadd.s32 $0xFFFFF000  }
0x17: {  	[tilespmem:s17], [sflag:$0x9] =	stream.linear.gather [hbm4b:s8+s6], $0x1000, $0x38;
	[tilespmem:$0x14C00] =	vst v63  }
0x18: {  	_ =	swait.ge [sflag:s11], $0x1000  }
0x19: {  	[sflag:s11] =	ssyncset.done $0x0  }
0x1a: {  	[sflag:s11] =	ssyncadd.s32 $0xFFFFF000  }
0x1b: {  	[tilespmem:s14], [sflag:$0x1] =	stream.indirect.gather [hbm4b:s1+s13], $0x80, s6, s13, $0xb8;
	[tilespmem:$0x14C00] =	vst v63  }
0x1c: {  	_ = 	snop  }
0x1d: {  	[tilespmem:s16], [sflag:$0x2] =	stream.indirect.gather [hbm4b:s1+s15], $0x80, s17, s15, $0xb8;
	[tilespmem:$0x14C00] =	vst v63  }
0x1e: {  	s31 =	simm.s32 $0x80;
	s30 =	simm.s32 $0x0  }
0x1f: {  	[tilespmem:s18], [sflag:$0x3] =	stream.indirect.gather [hbm4b:s1+s13], $0x80, s31, s13, $0xb8;
	[tilespmem:$0x14C00] =	vst v63  }
.LBB2_2:
0x20: {  	_ =	swait.ge [sflag:s19], $0x2C00  }
0x21: {  	[sflag:s19] =	ssyncset.done $0x0  }
0x22: {  	s0 =	simm.s32 $0x0;
	s2 =	simm.s32 $0x200;
	[sflag:s19] =	ssyncadd.s32 $0xFFFFD400  }
.LBB2_3:
0x23: {  	p0 =	sne.s32 s2, $0xAE00;
	v0 =	vld [tilespmem:s0+$0xE870]  }
0x24: {  	v1 =	vld [tilespmem:s0+$0xE800]  }
0x25: {  	v2 =	vld [tilespmem:s0+$0xE810]  }
0x26: {  	v3 =	vld [tilespmem:s0+$0xE820]  }
0x27: {  	v4 =	vld [tilespmem:s0+$0xE830]  }
0x28: {  	[tilespmem:s0+$0x2070] =	vst.add.f32.msk $0xffff, v0  }
0x29: {  	v0 =	vld [tilespmem:s0+$0xE840]  }
0x2a: {  	v5 =	vld [tilespmem:s0+$0xE850]  }
0x2b: {  	v6 =	vld [tilespmem:s0+$0xE860]  }
0x2c: {  	[tilespmem:s0+$0x2000] =	vst.add.f32.msk $0xffff, v1  }
0x2d: {  	[tilespmem:s0+$0x2010] =	vst.add.f32.msk $0xffff, v2  }
.Ltmp0:
0x2e: {  	[tilespmem:s0+$0x2020] =	vst.add.f32.msk $0xffff, v3;
	(pc) =	sbr.rel @p0 .LBB2_3-.Ltmp0, $4  }
0x2f: {  	[tilespmem:s0+$0x2030] =	vst.add.f32.msk $0xffff, v4  }
0x30: {  	[tilespmem:s0+$0x2040] =	vst.add.f32.msk $0xffff, v0  }
0x31: {  	[tilespmem:s0+$0x2050] =	vst.add.f32.msk $0xffff, v5  }
0x32: {  	[tilespmem:s0+$0x2060] =	vst.add.f32.msk $0xffff, v6;
	s0 =	sshra.s32 s2, $0x2;
	s2 =	sadd.s32 $0x200, s2  }
0x33: {  	v0 =	vld [tilespmem:s0+$0xE870]  }
0x34: {  	v1 =	vld [tilespmem:s0+$0xE800]  }
0x35: {  	v2 =	vld [tilespmem:s0+$0xE810]  }
0x36: {  	v3 =	vld [tilespmem:s0+$0xE820]  }
0x37: {  	v4 =	vld [tilespmem:s0+$0xE830]  }
0x38: {  	v63 =	vld [tilespmem:s0+$0xE840]  }
0x39: {  	v5 =	vld [tilespmem:s0+$0xE850]  }
0x3a: {  	v6 =	vld [tilespmem:s0+$0xE860]  }
0x3b: {  	[tilespmem:s0+$0x2070] =	vst.add.f32.msk $0xffff, v0  }
0x3c: {  	[tilespmem:s0+$0x2000] =	vst.add.f32.msk $0xffff, v1  }
0x3d: {  	[tilespmem:s0+$0x2010] =	vst.add.f32.msk $0xffff, v2  }
0x3e: {  	[tilespmem:s0+$0x2020] =	vst.add.f32.msk $0xffff, v3  }
0x3f: {  	[tilespmem:s0+$0x2030] =	vst.add.f32.msk $0xffff, v4  }
0x40: {  	[tilespmem:s0+$0x2040] =	vst.add.f32.msk $0xffff, v63  }
0x41: {  	s2 =	sshll.u32 s30, $0x2;
	p0 =	seq.s32 s30, $0x0;
	[tilespmem:s0+$0x2050] =	vst.add.f32.msk $0xffff, v5  }
0x42: {  	s31 =	sor.u32 $0x3, s2;
	[tilespmem:s0+$0x2060] =	vst.add.f32.msk $0xffff, v6;
	s0 =	simm.s32 @!p0 $0x8  }
0x43: {  	s2 =	sshll.u32 s30, $0x1;
	s3 =	sshll.u32 s31, $0x6;
	_ =	swait.ge @!p0 [sflag:s0], $0x3800  }
0x44: {  	s10 =	sand.u32 $0xF80, s3;
	s3 =	sor.u32 s5, s2;
	[sflag:s0] =	ssyncset.done @!p0 $0x0  }
0x45: {  	s12 =	sor.u32 $0x1000, s10;
	s17 =	smul.u32 $0xC80, s3;
	[sflag:s0] =	ssyncadd.s32 @!p0 $0xFFFFC800  }
0x46: {  	[tilespmem:s20], [sflag:$0x4] =	stream.indirect.gather [hbm4b:s1+s15], $0x80, s12, s15, $0xb8;
	[tilespmem:$0x14C00] =	vst v63  }
0x47: {  	s12 =	sadd.s32 s4, s17;
	s17 =	simm.s32 $0x0  }
0x48: {  	[hbm4b:s12+s17] =	stream.linear.scatter [tilespmem:s14], [sflag:$0x5], $0x2C00, $0x38;
	[tilespmem:$0x14C00] =	vst v63  }
0x49: {  	_ =	swait.ge [sflag:s21], $0x3800  }
0x4a: {  	[sflag:s21] =	ssyncset.done $0x0  }
0x4b: {  	s10 =	simm.s32 $0x200;
	s0 =	simm.s32 $0x0;
	[sflag:s21] =	ssyncadd.s32 $0xFFFFC800  }
.LBB2_5:
0x4c: {  	p0 =	sne.s32 s10, $0xDE00;
	v0 =	vld [tilespmem:s0+$0x11470]  }
0x4d: {  	v1 =	vld [tilespmem:s0+$0x11400]  }
0x4e: {  	v2 =	vld [tilespmem:s0+$0x11410]  }
0x4f: {  	v3 =	vld [tilespmem:s0+$0x11420]  }
0x50: {  	v4 =	vld [tilespmem:s0+$0x11430]  }
0x51: {  	[tilespmem:s0+$0x7870] =	vst.add.f32.msk $0xffff, v0  }
0x52: {  	v0 =	vld [tilespmem:s0+$0x11440]  }
0x53: {  	v5 =	vld [tilespmem:s0+$0x11450]  }
0x54: {  	v6 =	vld [tilespmem:s0+$0x11460]  }
0x55: {  	[tilespmem:s0+$0x7800] =	vst.add.f32.msk $0xffff, v1  }
0x56: {  	[tilespmem:s0+$0x7810] =	vst.add.f32.msk $0xffff, v2  }
.Ltmp1:
0x57: {  	[tilespmem:s0+$0x7820] =	vst.add.f32.msk $0xffff, v3;
	(pc) =	sbr.rel @p0 .LBB2_5-.Ltmp1, $4  }
0x58: {  	[tilespmem:s0+$0x7830] =	vst.add.f32.msk $0xffff, v4  }
0x59: {  	[tilespmem:s0+$0x7840] =	vst.add.f32.msk $0xffff, v0  }
0x5a: {  	[tilespmem:s0+$0x7850] =	vst.add.f32.msk $0xffff, v5  }
0x5b: {  	[tilespmem:s0+$0x7860] =	vst.add.f32.msk $0xffff, v6;
	s0 =	sshra.s32 s10, $0x2;
	s10 =	sadd.s32 $0x200, s10  }
0x5c: {  	v0 =	vld [tilespmem:s0+$0x11470]  }
0x5d: {  	v1 =	vld [tilespmem:s0+$0x11400]  }
0x5e: {  	v2 =	vld [tilespmem:s0+$0x11410]  }
0x5f: {  	v3 =	vld [tilespmem:s0+$0x11420]  }
0x60: {  	v4 =	vld [tilespmem:s0+$0x11430]  }
0x61: {  	v63 =	vld [tilespmem:s0+$0x11440]  }
0x62: {  	v5 =	vld [tilespmem:s0+$0x11450]  }
0x63: {  	v6 =	vld [tilespmem:s0+$0x11460]  }
0x64: {  	[tilespmem:s0+$0x7870] =	vst.add.f32.msk $0xffff, v0  }
0x65: {  	[tilespmem:s0+$0x7800] =	vst.add.f32.msk $0xffff, v1  }
0x66: {  	[tilespmem:s0+$0x7810] =	vst.add.f32.msk $0xffff, v2  }
0x67: {  	[tilespmem:s0+$0x7820] =	vst.add.f32.msk $0xffff, v3  }
0x68: {  	[tilespmem:s0+$0x7830] =	vst.add.f32.msk $0xffff, v4  }
0x69: {  	[tilespmem:s0+$0x7840] =	vst.add.f32.msk $0xffff, v63  }
0x6a: {  	p0 =	seq.s32 s30, $0xF;
	[tilespmem:s0+$0x7850] =	vst.add.f32.msk $0xffff, v5  }
0x6b: {  	s3 =	smul.u32 $0x6400, s3;
	s17 =	simm.s32 @!p0 $0x58;
	[tilespmem:s0+$0x7860] =	vst.add.f32.msk $0xffff, v6  }
0x6c: {  	s12 =	simm.s32 @!p0 $0x2000;
	s0 =	sshll.u32 @!p0 s30, $0x8;
	_ =	swait.ge [sflag:s22], $0x2C00  }
0x6d: {  	s3 =	sshrl.u32 s3, $0x3;
	s0 =	sand.u32 @!p0 $0x3FFFFF00, s0;
	[sflag:s22] =	ssyncset.done $0x0  }
0x6e: {  	s3 =	sadd.s32 s4, s3;
	s10 =	sadd.s32 @!p0 $0x100, s0;
	[sflag:s22] =	ssyncadd.s32 $0xFFFFD400  }
0x6f: {  	[tilespmem:s12], [sflag:$0x1] =	stream.indirect.gather @!p0 [hbm4b:s1+s17], $0x80, s10, s17, $0xb8;
	[tilespmem:$0x14C00] =	vst v63  }
0x70: {  	s3 =	sadd.s32 $0x580, s3;
	s17 =	simm.s32 $0x0  }
0x71: {  	[hbm4b:s3+s17] =	stream.linear.scatter [tilespmem:s16], [sflag:$0x6], $0x3800, $0x38;
	[tilespmem:$0x14C00] =	vst v63  }
0x72: {  	_ =	swait.ge [sflag:s23], $0x2C00  }
0x73: {  	[sflag:s23] =	ssyncset.done $0x0  }
0x74: {  	s10 =	simm.s32 $0x200;
	s3 =	simm.s32 $0x0;
	[sflag:s23] =	ssyncadd.s32 $0xFFFFD400  }
.LBB2_7:
0x75: {  	p1 =	sne.s32 s10, $0xAE00;
	v0 =	vld [tilespmem:s3+$0xE870]  }
0x76: {  	v1 =	vld [tilespmem:s3+$0xE800]  }
0x77: {  	v2 =	vld [tilespmem:s3+$0xE810]  }
0x78: {  	v3 =	vld [tilespmem:s3+$0xE820]  }
0x79: {  	v4 =	vld [tilespmem:s3+$0xE830]  }
0x7a: {  	[tilespmem:s3+$0x4C70] =	vst.add.f32.msk $0xffff, v0  }
0x7b: {  	v0 =	vld [tilespmem:s3+$0xE840]  }
0x7c: {  	v5 =	vld [tilespmem:s3+$0xE850]  }
0x7d: {  	v6 =	vld [tilespmem:s3+$0xE860]  }
0x7e: {  	[tilespmem:s3+$0x4C00] =	vst.add.f32.msk $0xffff, v1  }
0x7f: {  	[tilespmem:s3+$0x4C10] =	vst.add.f32.msk $0xffff, v2  }
.Ltmp2:
0x80: {  	[tilespmem:s3+$0x4C20] =	vst.add.f32.msk $0xffff, v3;
	(pc) =	sbr.rel @p1 .LBB2_7-.Ltmp2, $4  }
0x81: {  	[tilespmem:s3+$0x4C30] =	vst.add.f32.msk $0xffff, v4  }
0x82: {  	[tilespmem:s3+$0x4C40] =	vst.add.f32.msk $0xffff, v0  }
0x83: {  	[tilespmem:s3+$0x4C50] =	vst.add.f32.msk $0xffff, v5  }
0x84: {  	[tilespmem:s3+$0x4C60] =	vst.add.f32.msk $0xffff, v6;
	s3 =	sshra.s32 s10, $0x2;
	s10 =	sadd.s32 $0x200, s10  }
0x85: {  	v0 =	vld [tilespmem:s3+$0xE870]  }
0x86: {  	v1 =	vld [tilespmem:s3+$0xE800]  }
0x87: {  	v2 =	vld [tilespmem:s3+$0xE810]  }
0x88: {  	v3 =	vld [tilespmem:s3+$0xE820]  }
0x89: {  	v4 =	vld [tilespmem:s3+$0xE830]  }
0x8a: {  	v63 =	vld [tilespmem:s3+$0xE840]  }
0x8b: {  	v5 =	vld [tilespmem:s3+$0xE850]  }
0x8c: {  	v6 =	vld [tilespmem:s3+$0xE860]  }
0x8d: {  	[tilespmem:s3+$0x4C70] =	vst.add.f32.msk $0xffff, v0  }
0x8e: {  	[tilespmem:s3+$0x4C00] =	vst.add.f32.msk $0xffff, v1  }
0x8f: {  	[tilespmem:s3+$0x4C10] =	vst.add.f32.msk $0xffff, v2  }
0x90: {  	[tilespmem:s3+$0x4C20] =	vst.add.f32.msk $0xffff, v3  }
0x91: {  	[tilespmem:s3+$0x4C30] =	vst.add.f32.msk $0xffff, v4  }
0x92: {  	[tilespmem:s3+$0x4C40] =	vst.add.f32.msk $0xffff, v63  }
0x93: {  	[tilespmem:s3+$0x4C50] =	vst.add.f32.msk $0xffff, v5  }
0x94: {  	s2 =	sadd.s32 s2, s5;
	[tilespmem:s3+$0x4C60] =	vst.add.f32.msk $0xffff, v6  }
0x95: {  	s2 =	smul.u32 $0xC80, s2;
	_ =	swait.ge [sflag:s24], $0x3800  }
0x96: {  	s10 =	simm.s32 @!p0 $0x70;
	s12 =	simm.s32 @!p0 $0x7800;
	[sflag:s24] =	ssyncset.done $0x0  }
0x97: {  	s2 =	sadd.s32 s4, s2;
	s3 =	sadd.s32 @!p0 $0x1100, s0;
	[sflag:s24] =	ssyncadd.s32 $0xFFFFC800  }
0x98: {  	[tilespmem:s12], [sflag:$0x2] =	stream.indirect.gather @!p0 [hbm4b:s1+s10], $0x80, s3, s10, $0xb8;
	[tilespmem:$0x14C00] =	vst v63  }
0x99: {  	s17 =	simm.s32 $0x0;
	s2 =	sadd.s32 $0xC80, s2  }
0x9a: {  	[hbm4b:s2+s17] =	stream.linear.scatter [tilespmem:s18], [sflag:$0x7], $0x2C00, $0x38;
	[tilespmem:$0x14C00] =	vst v63  }
0x9b: {  	_ =	swait.ge [sflag:s25], $0x3800  }
0x9c: {  	[sflag:s25] =	ssyncset.done $0x0  }
0x9d: {  	s3 =	simm.s32 $0x200;
	s2 =	simm.s32 $0x0;
	[sflag:s25] =	ssyncadd.s32 $0xFFFFC800  }
.LBB2_9:
0x9e: {  	p1 =	sne.s32 s3, $0xDE00;
	v0 =	vld [tilespmem:s2+$0x11470]  }
0x9f: {  	v1 =	vld [tilespmem:s2+$0x11400]  }
0xa0: {  	v2 =	vld [tilespmem:s2+$0x11410]  }
0xa1: {  	v3 =	vld [tilespmem:s2+$0x11420]  }
0xa2: {  	v4 =	vld [tilespmem:s2+$0x11430]  }
0xa3: {  	[tilespmem:s2+$0xB070] =	vst.add.f32.msk $0xffff, v0  }
0xa4: {  	v0 =	vld [tilespmem:s2+$0x11440]  }
0xa5: {  	v5 =	vld [tilespmem:s2+$0x11450]  }
0xa6: {  	v6 =	vld [tilespmem:s2+$0x11460]  }
0xa7: {  	[tilespmem:s2+$0xB000] =	vst.add.f32.msk $0xffff, v1  }
0xa8: {  	[tilespmem:s2+$0xB010] =	vst.add.f32.msk $0xffff, v2  }
.Ltmp3:
0xa9: {  	[tilespmem:s2+$0xB020] =	vst.add.f32.msk $0xffff, v3;
	(pc) =	sbr.rel @p1 .LBB2_9-.Ltmp3, $4  }
0xaa: {  	[tilespmem:s2+$0xB030] =	vst.add.f32.msk $0xffff, v4  }
0xab: {  	[tilespmem:s2+$0xB040] =	vst.add.f32.msk $0xffff, v0  }
0xac: {  	[tilespmem:s2+$0xB050] =	vst.add.f32.msk $0xffff, v5  }
0xad: {  	[tilespmem:s2+$0xB060] =	vst.add.f32.msk $0xffff, v6;
	s2 =	sshra.s32 s3, $0x2;
	s3 =	sadd.s32 $0x200, s3  }
0xae: {  	v0 =	vld [tilespmem:s2+$0x11470]  }
0xaf: {  	v1 =	vld [tilespmem:s2+$0x11400]  }
0xb0: {  	v2 =	vld [tilespmem:s2+$0x11410]  }
0xb1: {  	v3 =	vld [tilespmem:s2+$0x11420]  }
0xb2: {  	v4 =	vld [tilespmem:s2+$0x11430]  }
0xb3: {  	v63 =	vld [tilespmem:s2+$0x11440]  }
0xb4: {  	v5 =	vld [tilespmem:s2+$0x11450]  }
0xb5: {  	v6 =	vld [tilespmem:s2+$0x11460]  }
0xb6: {  	[tilespmem:s2+$0xB070] =	vst.add.f32.msk $0xffff, v0  }
0xb7: {  	[tilespmem:s2+$0xB000] =	vst.add.f32.msk $0xffff, v1  }
0xb8: {  	[tilespmem:s2+$0xB010] =	vst.add.f32.msk $0xffff, v2  }
0xb9: {  	[tilespmem:s2+$0xB020] =	vst.add.f32.msk $0xffff, v3  }
0xba: {  	[tilespmem:s2+$0xB030] =	vst.add.f32.msk $0xffff, v4  }
0xbb: {  	[tilespmem:s2+$0xB040] =	vst.add.f32.msk $0xffff, v63  }
0xbc: {  	[tilespmem:s2+$0xB050] =	vst.add.f32.msk $0xffff, v5  }
0xbd: {  	[tilespmem:s2+$0xB060] =	vst.add.f32.msk $0xffff, v6  }
0xbe: {  	s17 =	sshrl.u32 s31, $0x1;
	s0 =	sadd.s32 @!p0 $0x180, s0;
	_ =	swait.ge [sflag:s26], $0x2C00  }
0xbf: {  	s3 =	simm.s32 @!p0 $0x58;
	s10 =	simm.s32 @!p0 $0x4C00;
	[sflag:s26] =	ssyncset.done $0x0  }
0xc0: {  	s30 =	sadd.s32 $0x1, s30;
	s2 =	sadd.s32 s5, s17;
	[sflag:s26] =	ssyncadd.s32 $0xFFFFD400  }
0xc1: {  	[tilespmem:s10], [sflag:$0x3] =	stream.indirect.gather @!p0 [hbm4b:s1+s3], $0x80, s0, s3, $0xb8;
	[tilespmem:$0x14C00] =	vst v63  }
0xc2: {  	s2 =	smul.u32 $0x6400, s2;
	p0 =	sne.s32 s30, $0x10  }
.Ltmp4:
0xc3: {  	_ = 	snop;
	(pc) =	sbr.rel @p0 .LBB2_2-.Ltmp4, $4  }
0xc4: {  	s31 =	sshrl.u32 s2, $0x3  }
0xc5: {  	s0 =	sadd.s32 s4, s31  }
0xc6: {  	s0 =	sadd.s32 $0x580, s0  }
0xc7: {  	[hbm4b:s0+s6] =	stream.linear.scatter [tilespmem:s20], [sflag:$0x8], $0x3800, $0x38;
	[tilespmem:$0x14C00] =	vst v63  }
0xc8: {  	s29 =	sadd.s32 $0x1, s29  }
0xc9: {  	p0 =	sne.s32 s29, s9  }
.Ltmp5:
0xca: {  	_ = 	snop;
	(pc) =	sbr.rel @p0 .LBB2_1-.Ltmp5, $4  }
0xcb: {  	_ = 	snop  }
0xcc: {  	_ =	swait.ge [sflag:s28], $0x3800  }
0xcd: {  	[sflag:s28] =	ssyncset.done $0x0  }
0xce: {  	[sflag:s28] =	ssyncadd.s32 $0xFFFFC800  }
0xcf: {  	_ =	sfence.sel $0x180000  }
0xd0: {  	[bflag:$0x0] =	sbarrier.arrive $0xFFFF  }
0xd1: {  	_ =	strace $0x90000047  }
0xd2: {  	s0 =	stileid.u32;
	[bflag:$0x2] =	sbarrier.arrive $0xFFFF  }
0xd3: {  	p0 =	sne.s32 s0, $0x0;
	s0 =	rddreg [dreg:$0x4]  }
0xd4: {  	s0 =	sadd.s32 @!p0 $0x100000, s0  }
0xd5: {  	[sflag:s0] =	ssyncadd.tile.s32 @!p0 $0x1;
	_ =	shalt  }
.Lfunc_end2:
_tile_overlayer_lowered:
.L_overlay_start_2:
0xd6: {  	(tag) =	ssettag $0x2  }
0xd7: {  	s0 =	rddreg [dreg:$0x0];
	s2 =	stileid.u32  }
0xd8: {  	s1 =	rddreg [dreg:$0x1];
	p0 =	sne.s32 s2, $0x0  }
0xd9: {  	s3 =	rddreg [dreg:$0x2];
	[bflag:$0x3] =	sbarrier.arrive $0xFFFF;
	s2 =	simm.s32 @!p0 $0x1C09  }
0xda: {  	[timem:s3], [sflag:s2] =	dma.local @!p0 [hbm:s0], s1  }
0xdb: {  	s0 =	simm.s32 @!p0 $0x9  }
0xdc: {  	_ =	swait.ge @!p0 [sflag:s0], s1  }
0xdd: {  	s1 =	ssub.s32 @!p0 $0x0, s1;
	[sflag:s0] =	ssyncset.done @!p0 $0x0  }
0xde: {  	[sflag:s0] =	ssyncadd.s32 @!p0 s1  }
0xdf: {  	[bflag:$0x3] =	sbarrier.arrive $0xFFFF  }
0xe0: {  	_ =	shalt  }

</sc_bundles>
